<compile_context>
chip_gen: v7x
topology: tpu7x:2x2x1
jax: 0.10.2.dev20260603
libtpu: 0.0.44.dev20260713+nightly
codegen_flags: <defaults>
</compile_context>

<pallas_src>
import functools

import jax
import jax.numpy as jnp
from jax import lax
from jax.experimental import pallas as pl
from jax.experimental.pallas import tpu as pltpu
from jax.experimental.pallas import tpu_sc as plsc

NC = 2
NS = 16
NW = NC * NS
CH = 128
NB = 4


def _make_gather(B, V, D):
  n_chunks = B // (NW * CH)
  assert B % (NW * CH) == 0 and n_chunks % NB == 0 and n_chunks >= 8

  mesh = plsc.VectorSubcoreMesh(
      core_axis_name="c", subcore_axis_name="s", num_cores=NC, num_subcores=NS
  )

  @functools.partial(
      pl.kernel,
      mesh=mesh,
      out_type=jax.ShapeDtypeStruct((B, D), jnp.float32),
      scratch_types=[
          pltpu.VMEM((n_chunks, CH), jnp.int32),
          pltpu.VMEM((NB, CH, D), jnp.float32),
          pltpu.VMEM_SHARED((NS, 2, CH, D), jnp.float32),
          pltpu.SemaphoreType.DMA((NB,)),
          pltpu.SemaphoreType.DMA((NB,)),
          pltpu.SemaphoreType.DMA((NB,)),
      ],
  )
  def gather(table_hbm, idx_hbm, out_hbm, idx_v, vbufs, all_sbufs, gsems,
             xsems, osems):
    cid = lax.axis_index("c")
    sid = lax.axis_index("s")
    wid = sid * NC + cid
    base = wid * (n_chunks * CH)
    sbufs = all_sbufs.at[sid]

    pltpu.sync_copy(idx_hbm.at[wid], idx_v)

    def g_copy(j, b):
      return pltpu.make_async_copy(
          table_hbm.at[idx_v.at[j]], vbufs.at[b], gsems.at[b]
      )

    def x_copy(b):
      return pltpu.make_async_copy(vbufs.at[b], sbufs.at[b % 2], xsems.at[b])

    def o_copy(j, b):
      return pltpu.make_async_copy(
          sbufs.at[b % 2], out_hbm.at[pl.ds(base + j * CH, CH)],
          osems.at[b % 2]
      )

    def step(j, b):
      @pl.when(j + 2 < n_chunks)
      def _():
        g_copy(j + 2, (b + 2) % NB).start()

      @pl.when(j >= 1)
      def _():
        x_copy((b - 1) % NB).wait()
        o_copy(j - 1, (b - 1) % NB).start()

      g_copy(0, b).wait()

      @pl.when(j >= 2)
      def _():
        o_copy(0, b).wait()

      x_copy(b).start()

    g_copy(0, 0).start()
    g_copy(1, 1).start()

    def body(g, _):
      for b in range(NB):
        step(NB * g + b, b)
      return 0

    lax.fori_loop(0, n_chunks // NB, body, 0)

    last = (n_chunks - 1) % NB
    x_copy(last).wait()
    o_copy(n_chunks - 1, last).start()
    for k in range(2):
      o_copy(0, (n_chunks - 1 - k) % NB).wait()

  return gather


def kernel(x, table):
  B0, B1 = x.shape
  V, D = table.shape
  B = B0 * B1
  idx = x.reshape(NW, B // (NW * CH), CH).astype(jnp.int32)
  out = _make_gather(B, V, D)(table, idx)
  return out.reshape(B0, B1, D)

# --- scband reference (transcript-rebuilt; emitter-appended) ---
"""Pipeline reference for scband-token-embedding-22282290332062 (READ-ONLY COPY).

The authoritative reference and input builder live on the scoring server;
editing this copy changes nothing except your own understanding.
"""

import jax, jax.numpy as jnp
import numpy as np

VOCAB = 100000
EMBED_DIM = 128

def setup_inputs(seed: int = 0) -> dict:
    key = jax.random.key(seed)
    k1, k2 = jax.random.split(key)
    x = jax.random.randint(k1, (4096, 200), 0, VOCAB, dtype=jnp.int64)
    table = jax.random.normal(k2, (VOCAB, EMBED_DIM), dtype=jnp.float32)
    return {"x": x, "table": table}

def reference(x, table):
    # nn.Embedding forward == row gather from the embedding table
    return jnp.take(table, x, axis=0)

if __name__ == "__main__":
    import jax
    _d = setup_inputs()
    print(jax.jit(kernel)(*tuple(_d.values())))

</pallas_src>

<mosaic_0001>
#map = affine_map<(d0, d1) -> (0, 0)>
#map1 = affine_map<(d0, d1) -> (0, 0, 0)>
module attributes {stable_mosaic.version = 14 : i64} {
  func.func @gather(%arg0: i32, %arg1: i32, %arg2: memref<100000x128xf32, #tpu.memory_space<hbm>>, %arg3: memref<32x200x128xi32, #tpu.memory_space<hbm>>, %arg4: memref<819200x128xf32, #tpu.memory_space<hbm>>, %arg5: memref<200x128xi32, #tpu.memory_space<vmem>>, %arg6: memref<4x128x128xf32, #tpu.memory_space<vmem>>, %arg7: memref<16x2x128x128xf32, #tpu.memory_space<vmem_shared>>, %arg8: memref<4x!tpu.dma_semaphore, #tpu.memory_space<semaphore_mem>>, %arg9: memref<4x!tpu.dma_semaphore, #tpu.memory_space<semaphore_mem>>, %arg10: memref<4x!tpu.dma_semaphore, #tpu.memory_space<semaphore_mem>>) attributes {dimension_semantics = [#tpu.dimension_semantics<core_parallel>, #tpu.dimension_semantics<subcore_parallel>], iteration_bounds = array<i64: 2, 16>, scalar_prefetch = 0 : i64, scratch_operands = 6 : i64, tpu.core_type = #tpu.core_type<sc_vector_subcore>, window_params = [{transform_indices = #map}, {transform_indices = #map1}, {transform_indices = #map}]} {
    %mul3A = arith.constant 2 : i32
    %mul3A_0 = arith.muli %arg1, %mul3A : i32
    %add3A = arith.addi %mul3A_0, %arg0 : i32
    %mul3A_1 = arith.constant 25600 : i32
    %mul3A_2 = arith.muli %add3A, %mul3A_1 : i32
    "tpu.region"() ({
      %run_scoped3A = tpu.sem_alloc : memref<!tpu.dma_semaphore, #tpu.memory_space<semaphore_mem>>
      %dma_start3A_119 = arith.constant 0 : i32
      %dma_start3A_120 = arith.constant 0 : i32
      %dma_start3A_121 = tpu.memref_slice %arg3[%add3A, %dma_start3A_119, %dma_start3A_120] : memref<32x200x128xi32, #tpu.memory_space<hbm>> -> memref<1x200x128xi32, #tpu.memory_space<hbm>>
      %dma_start3A_122 = tpu.memref_squeeze %dma_start3A_121 : memref<1x200x128xi32, #tpu.memory_space<hbm>> -> memref<200x128xi32, #tpu.memory_space<hbm>>
      %dma_start3A_123 = arith.constant 0 : i32
      %dma_start3A_124 = arith.constant 0 : i32
      %dma_start3A_125 = tpu.memref_slice %arg3[%add3A, %dma_start3A_123, %dma_start3A_124] : memref<32x200x128xi32, #tpu.memory_space<hbm>> -> memref<1x200x128xi32, #tpu.memory_space<hbm>>
      %dma_start3A_126 = tpu.memref_squeeze %dma_start3A_125 : memref<1x200x128xi32, #tpu.memory_space<hbm>> -> memref<200x128xi32, #tpu.memory_space<hbm>>
      tpu.enqueue_dma source(%dma_start3A_126 : memref<200x128xi32, #tpu.memory_space<hbm>>) target(%arg5 : memref<200x128xi32, #tpu.memory_space<vmem>>) target_semaphore(%run_scoped3A : memref<!tpu.dma_semaphore, #tpu.memory_space<semaphore_mem>>)
      %dma_wait3A_127 = arith.constant 0 : i32
      %dma_wait3A_128 = arith.constant 0 : i32
      %dma_wait3A_129 = tpu.memref_slice %arg3[%add3A, %dma_wait3A_127, %dma_wait3A_128] : memref<32x200x128xi32, #tpu.memory_space<hbm>> -> memref<1x200x128xi32, #tpu.memory_space<hbm>>
      %dma_wait3A_130 = tpu.memref_squeeze %dma_wait3A_129 : memref<1x200x128xi32, #tpu.memory_space<hbm>> -> memref<200x128xi32, #tpu.memory_space<hbm>>
      %dma_wait3A_131 = arith.constant 0 : i32
      %dma_wait3A_132 = arith.constant 0 : i32
      %dma_wait3A_133 = tpu.memref_slice %arg3[%add3A, %dma_wait3A_131, %dma_wait3A_132] : memref<32x200x128xi32, #tpu.memory_space<hbm>> -> memref<1x200x128xi32, #tpu.memory_space<hbm>>
      %dma_wait3A_134 = tpu.memref_squeeze %dma_wait3A_133 : memref<1x200x128xi32, #tpu.memory_space<hbm>> -> memref<200x128xi32, #tpu.memory_space<hbm>>
      tpu.wait_dma2 semaphore(%run_scoped3A : memref<!tpu.dma_semaphore, #tpu.memory_space<semaphore_mem>>) src(%dma_wait3A_134 : memref<200x128xi32, #tpu.memory_space<hbm>>) dst(%arg5 : memref<200x128xi32, #tpu.memory_space<vmem>>)
      tpu.yield
    }) : () -> ()
    %dma_start3A = arith.constant 0 : i32
    %dma_start3A_3 = arith.constant 0 : i32
    %dma_start3A_4 = arith.constant 0 : i32
    %dma_start3A_5 = arith.constant 0 : i32
    %dma_start3A_6 = arith.constant 0 : i32
    %dma_start3A_7 = tpu.memref_slice %arg6[%dma_start3A_3, %dma_start3A_5, %dma_start3A_6] : memref<4x128x128xf32, #tpu.memory_space<vmem>> -> memref<1x128x128xf32, #tpu.memory_space<vmem>>
    %dma_start3A_8 = tpu.memref_squeeze %dma_start3A_7 : memref<1x128x128xf32, #tpu.memory_space<vmem>> -> memref<128x128xf32, #tpu.memory_space<vmem>>
    %dma_start3A_9 = arith.constant 0 : i32
    %dma_start3A_10 = tpu.memref_slice %arg5[%dma_start3A, %dma_start3A_9] : memref<200x128xi32, #tpu.memory_space<vmem>> -> memref<1x128xi32, #tpu.memory_space<vmem>>
    %dma_start3A_11 = tpu.memref_squeeze %dma_start3A_10 : memref<1x128xi32, #tpu.memory_space<vmem>> -> memref<128xi32, #tpu.memory_space<vmem>>
    %dma_start3A_12 = arith.constant 0 : i32
    %dma_start3A_13 = arith.constant 0 : i32
    %dma_start3A_14 = tpu.memref_slice %arg2[%dma_start3A_12, %dma_start3A_13] : memref<100000x128xf32, #tpu.memory_space<hbm>> -> memref<100000x128xf32, #tpu.memory_space<hbm>>
    %dma_start3A_15 = tpu.memref_slice %arg8[%dma_start3A_4] : memref<4x!tpu.dma_semaphore, #tpu.memory_space<semaphore_mem>> -> memref<1x!tpu.dma_semaphore, #tpu.memory_space<semaphore_mem>>
    %dma_start3A_16 = tpu.memref_squeeze %dma_start3A_15 : memref<1x!tpu.dma_semaphore, #tpu.memory_space<semaphore_mem>> -> memref<!tpu.dma_semaphore, #tpu.memory_space<semaphore_mem>>
    tpu.enqueue_indirect_dma source(%dma_start3A_14 : memref<100000x128xf32, #tpu.memory_space<hbm>>) target(%dma_start3A_8 : memref<128x128xf32, #tpu.memory_space<vmem>>) offsets(%dma_start3A_11 : memref<128xi32, #tpu.memory_space<vmem>>) semaphore(%dma_start3A_16 : memref<!tpu.dma_semaphore, #tpu.memory_space<semaphore_mem>>)
    %dma_start3A_17 = arith.constant 1 : i32
    %dma_start3A_18 = arith.constant 1 : i32
    %dma_start3A_19 = arith.constant 1 : i32
    %dma_start3A_20 = arith.constant 0 : i32
    %dma_start3A_21 = arith.constant 0 : i32
    %dma_start3A_22 = tpu.memref_slice %arg6[%dma_start3A_18, %dma_start3A_20, %dma_start3A_21] : memref<4x128x128xf32, #tpu.memory_space<vmem>> -> memref<1x128x128xf32, #tpu.memory_space<vmem>>
    %dma_start3A_23 = tpu.memref_squeeze %dma_start3A_22 : memref<1x128x128xf32, #tpu.memory_space<vmem>> -> memref<128x128xf32, #tpu.memory_space<vmem>>
    %dma_start3A_24 = arith.constant 0 : i32
    %dma_start3A_25 = tpu.memref_slice %arg5[%dma_start3A_17, %dma_start3A_24] : memref<200x128xi32, #tpu.memory_space<vmem>> -> memref<1x128xi32, #tpu.memory_space<vmem>>
    %dma_start3A_26 = tpu.memref_squeeze %dma_start3A_25 : memref<1x128xi32, #tpu.memory_space<vmem>> -> memref<128xi32, #tpu.memory_space<vmem>>
    %dma_start3A_27 = arith.constant 0 : i32
    %dma_start3A_28 = arith.constant 0 : i32
    %dma_start3A_29 = tpu.memref_slice %arg2[%dma_start3A_27, %dma_start3A_28] : memref<100000x128xf32, #tpu.memory_space<hbm>> -> memref<100000x128xf32, #tpu.memory_space<hbm>>
    %dma_start3A_30 = tpu.memref_slice %arg8[%dma_start3A_19] : memref<4x!tpu.dma_semaphore, #tpu.memory_space<semaphore_mem>> -> memref<1x!tpu.dma_semaphore, #tpu.memory_space<semaphore_mem>>
    %dma_start3A_31 = tpu.memref_squeeze %dma_start3A_30 : memref<1x!tpu.dma_semaphore, #tpu.memory_space<semaphore_mem>> -> memref<!tpu.dma_semaphore, #tpu.memory_space<semaphore_mem>>
    tpu.enqueue_indirect_dma source(%dma_start3A_29 : memref<100000x128xf32, #tpu.memory_space<hbm>>) target(%dma_start3A_23 : memref<128x128xf32, #tpu.memory_space<vmem>>) offsets(%dma_start3A_26 : memref<128xi32, #tpu.memory_space<vmem>>) semaphore(%dma_start3A_31 : memref<!tpu.dma_semaphore, #tpu.memory_space<semaphore_mem>>)
    %scan3A = arith.constant 0 : i32
    %scan3A_32 = arith.constant 0 : i32
    %scan3A_33 = arith.constant 50 : i32
    %scan3A_34 = arith.addi %scan3A_32, %scan3A_33 : i32
    %scan3A_35 = arith.constant 1 : i32
    %scan3A_36 = scf.for %scan3A_119 = %scan3A_32 to %scan3A_34 step %scan3A_35 iter_args(%scan3A_120 = %scan3A) -> (i32)  : i32 {
      %mul3A_121 = arith.constant 4 : i32
      %mul3A_122 = arith.muli %mul3A_121, %scan3A_119 : i32
      %add3A_123 = arith.constant 0 : i32
      %add3A_124 = arith.addi %mul3A_122, %add3A_123 : i32
      %add3A_125 = arith.constant 2 : i32
      %add3A_126 = arith.addi %add3A_124, %add3A_125 : i32
      %lt3A = arith.constant 200 : i32
      %lt3A_127 = arith.cmpi slt, %add3A_126, %lt3A : i32
      %convert_element_type3A = arith.extui %lt3A_127 : i1 to i32
      %cond3A = arith.constant 0 : i32
      %cond3A_128 = arith.cmpi ne, %convert_element_type3A, %cond3A : i32
      scf.if %cond3A_128 {
        %add3A_386 = arith.constant 2 : i32
        %add3A_387 = arith.addi %add3A_124, %add3A_386 : i32
        %dma_start3A_388 = arith.constant 2 : i32
        %dma_start3A_389 = arith.constant 2 : i32
        %dma_start3A_390 = arith.constant 0 : i32
        %dma_start3A_391 = arith.constant 0 : i32
        %dma_start3A_392 = tpu.memref_slice %arg6[%dma_start3A_388, %dma_start3A_390, %dma_start3A_391] : memref<4x128x128xf32, #tpu.memory_space<vmem>> -> memref<1x128x128xf32, #tpu.memory_space<vmem>>
        %dma_start3A_393 = tpu.memref_squeeze %dma_start3A_392 : memref<1x128x128xf32, #tpu.memory_space<vmem>> -> memref<128x128xf32, #tpu.memory_space<vmem>>
        %dma_start3A_394 = arith.constant 0 : i32
        %dma_start3A_395 = tpu.memref_slice %arg5[%add3A_387, %dma_start3A_394] : memref<200x128xi32, #tpu.memory_space<vmem>> -> memref<1x128xi32, #tpu.memory_space<vmem>>
        %dma_start3A_396 = tpu.memref_squeeze %dma_start3A_395 : memref<1x128xi32, #tpu.memory_space<vmem>> -> memref<128xi32, #tpu.memory_space<vmem>>
        %dma_start3A_397 = arith.constant 0 : i32
        %dma_start3A_398 = arith.constant 0 : i32
        %dma_start3A_399 = tpu.memref_slice %arg2[%dma_start3A_397, %dma_start3A_398] : memref<100000x128xf32, #tpu.memory_space<hbm>> -> memref<100000x128xf32, #tpu.memory_space<hbm>>
        %dma_start3A_400 = tpu.memref_slice %arg8[%dma_start3A_389] : memref<4x!tpu.dma_semaphore, #tpu.memory_space<semaphore_mem>> -> memref<1x!tpu.dma_semaphore, #tpu.memory_space<semaphore_mem>>
        %dma_start3A_401 = tpu.memref_squeeze %dma_start3A_400 : memref<1x!tpu.dma_semaphore, #tpu.memory_space<semaphore_mem>> -> memref<!tpu.dma_semaphore, #tpu.memory_space<semaphore_mem>>
        tpu.enqueue_indirect_dma source(%dma_start3A_399 : memref<100000x128xf32, #tpu.memory_space<hbm>>) target(%dma_start3A_393 : memref<128x128xf32, #tpu.memory_space<vmem>>) offsets(%dma_start3A_396 : memref<128xi32, #tpu.memory_space<vmem>>) semaphore(%dma_start3A_401 : memref<!tpu.dma_semaphore, #tpu.memory_space<semaphore_mem>>)
      } else {
      }
      %ge3A = arith.constant 1 : i32
      %ge3A_129 = arith.cmpi sge, %add3A_124, %ge3A : i32
      %convert_element_type3A_130 = arith.extui %ge3A_129 : i1 to i32
      %cond3A_131 = arith.constant 0 : i32
      %cond3A_132 = arith.cmpi ne, %convert_element_type3A_130, %cond3A_131 : i32
      scf.if %cond3A_132 {
        %dma_wait3A_386 = arith.constant 3 : i32
        %dma_wait3A_387 = arith.constant 1 : i32
        %dma_wait3A_388 = arith.constant 3 : i32
        %dma_wait3A_389 = arith.constant 0 : i32
        %dma_wait3A_390 = arith.constant 0 : i32
        %dma_wait3A_391 = tpu.memref_slice %arg6[%dma_wait3A_386, %dma_wait3A_389, %dma_wait3A_390] : memref<4x128x128xf32, #tpu.memory_space<vmem>> -> memref<1x128x128xf32, #tpu.memory_space<vmem>>
        %dma_wait3A_392 = tpu.memref_squeeze %dma_wait3A_391 : memref<1x128x128xf32, #tpu.memory_space<vmem>> -> memref<128x128xf32, #tpu.memory_space<vmem>>
        %dma_wait3A_393 = arith.constant 0 : i32
        %dma_wait3A_394 = arith.constant 0 : i32
        %dma_wait3A_395 = arith.constant 0 : i32
        %dma_wait3A_396 = tpu.memref_slice %arg7[%arg1, %dma_wait3A_393, %dma_wait3A_394, %dma_wait3A_395] : memref<16x2x128x128xf32, #tpu.memory_space<vmem_shared>> -> memref<1x2x128x128xf32, #tpu.memory_space<vmem_shared>>
        %dma_wait3A_397 = tpu.memref_squeeze %dma_wait3A_396 : memref<1x2x128x128xf32, #tpu.memory_space<vmem_shared>> -> memref<2x128x128xf32, #tpu.memory_space<vmem_shared>>
        %dma_wait3A_398 = arith.constant 0 : i32
        %dma_wait3A_399 = arith.constant 0 : i32
        %dma_wait3A_400 = tpu.memref_slice %dma_wait3A_397[%dma_wait3A_387, %dma_wait3A_398, %dma_wait3A_399] : memref<2x128x128xf32, #tpu.memory_space<vmem_shared>> -> memref<1x128x128xf32, #tpu.memory_space<vmem_shared>>
        %dma_wait3A_401 = tpu.memref_squeeze %dma_wait3A_400 : memref<1x128x128xf32, #tpu.memory_space<vmem_shared>> -> memref<128x128xf32, #tpu.memory_space<vmem_shared>>
        %dma_wait3A_402 = tpu.memref_slice %arg9[%dma_wait3A_388] : memref<4x!tpu.dma_semaphore, #tpu.memory_space<semaphore_mem>> -> memref<1x!tpu.dma_semaphore, #tpu.memory_space<semaphore_mem>>
        %dma_wait3A_403 = tpu.memref_squeeze %dma_wait3A_402 : memref<1x!tpu.dma_semaphore, #tpu.memory_space<semaphore_mem>> -> memref<!tpu.dma_semaphore, #tpu.memory_space<semaphore_mem>>
        %dma_wait3A_404 = arith.constant 0 : i32
        %dma_wait3A_405 = arith.constant 0 : i32
        %dma_wait3A_406 = arith.constant 0 : i32
        %dma_wait3A_407 = tpu.memref_slice %arg7[%arg1, %dma_wait3A_404, %dma_wait3A_405, %dma_wait3A_406] : memref<16x2x128x128xf32, #tpu.memory_space<vmem_shared>> -> memref<1x2x128x128xf32, #tpu.memory_space<vmem_shared>>
        %dma_wait3A_408 = tpu.memref_squeeze %dma_wait3A_407 : memref<1x2x128x128xf32, #tpu.memory_space<vmem_shared>> -> memref<2x128x128xf32, #tpu.memory_space<vmem_shared>>
        %dma_wait3A_409 = arith.constant 0 : i32
        %dma_wait3A_410 = arith.constant 0 : i32
        %dma_wait3A_411 = tpu.memref_slice %dma_wait3A_408[%dma_wait3A_387, %dma_wait3A_409, %dma_wait3A_410] : memref<2x128x128xf32, #tpu.memory_space<vmem_shared>> -> memref<1x128x128xf32, #tpu.memory_space<vmem_shared>>
        %dma_wait3A_412 = tpu.memref_squeeze %dma_wait3A_411 : memref<1x128x128xf32, #tpu.memory_space<vmem_shared>> -> memref<128x128xf32, #tpu.memory_space<vmem_shared>>
        %dma_wait3A_413 = arith.constant 0 : i32
        %dma_wait3A_414 = arith.constant 0 : i32
        %dma_wait3A_415 = tpu.memref_slice %arg6[%dma_wait3A_386, %dma_wait3A_413, %dma_wait3A_414] : memref<4x128x128xf32, #tpu.memory_space<vmem>> -> memref<1x128x128xf32, #tpu.memory_space<vmem>>
        %dma_wait3A_416 = tpu.memref_squeeze %dma_wait3A_415 : memref<1x128x128xf32, #tpu.memory_space<vmem>> -> memref<128x128xf32, #tpu.memory_space<vmem>>
        tpu.wait_dma2 semaphore(%dma_wait3A_403 : memref<!tpu.dma_semaphore, #tpu.memory_space<semaphore_mem>>) src(%dma_wait3A_416 : memref<128x128xf32, #tpu.memory_space<vmem>>) dst(%dma_wait3A_412 : memref<128x128xf32, #tpu.memory_space<vmem_shared>>)
        %sub3A = arith.constant 1 : i32
        %sub3A_417 = arith.subi %add3A_124, %sub3A : i32
        %mul3A_418 = arith.constant 128 : i32
        %mul3A_419 = arith.muli %sub3A_417, %mul3A_418 : i32
        %add3A_420 = arith.addi %mul3A_2, %mul3A_419 : i32
        %dma_start3A_421 = arith.constant 1 : i32
        %dma_start3A_422 = arith.constant 1 : i32
        %dma_start3A_423 = tpu.memref_slice %arg10[%dma_start3A_422] : memref<4x!tpu.dma_semaphore, #tpu.memory_space<semaphore_mem>> -> memref<1x!tpu.dma_semaphore, #tpu.memory_space<semaphore_mem>>
        %dma_start3A_424 = tpu.memref_squeeze %dma_start3A_423 : memref<1x!tpu.dma_semaphore, #tpu.memory_space<semaphore_mem>> -> memref<!tpu.dma_semaphore, #tpu.memory_space<semaphore_mem>>
        %dma_start3A_425 = arith.constant 0 : i32
        %dma_start3A_426 = tpu.memref_slice %arg4[%add3A_420, %dma_start3A_425] : memref<819200x128xf32, #tpu.memory_space<hbm>> -> memref<128x128xf32, #tpu.memory_space<hbm>>
        %dma_start3A_427 = arith.constant 0 : i32
        %dma_start3A_428 = arith.constant 0 : i32
        %dma_start3A_429 = arith.constant 0 : i32
        %dma_start3A_430 = tpu.memref_slice %arg7[%arg1, %dma_start3A_427, %dma_start3A_428, %dma_start3A_429] : memref<16x2x128x128xf32, #tpu.memory_space<vmem_shared>> -> memref<1x2x128x128xf32, #tpu.memory_space<vmem_shared>>
        %dma_start3A_431 = tpu.memref_squeeze %dma_start3A_430 : memref<1x2x128x128xf32, #tpu.memory_space<vmem_shared>> -> memref<2x128x128xf32, #tpu.memory_space<vmem_shared>>
        %dma_start3A_432 = arith.constant 0 : i32
        %dma_start3A_433 = arith.constant 0 : i32
        %dma_start3A_434 = tpu.memref_slice %dma_start3A_431[%dma_start3A_421, %dma_start3A_432, %dma_start3A_433] : memref<2x128x128xf32, #tpu.memory_space<vmem_shared>> -> memref<1x128x128xf32, #tpu.memory_space<vmem_shared>>
        %dma_start3A_435 = tpu.memref_squeeze %dma_start3A_434 : memref<1x128x128xf32, #tpu.memory_space<vmem_shared>> -> memref<128x128xf32, #tpu.memory_space<vmem_shared>>
        tpu.enqueue_dma source(%dma_start3A_435 : memref<128x128xf32, #tpu.memory_space<vmem_shared>>) target(%dma_start3A_426 : memref<128x128xf32, #tpu.memory_space<hbm>>) target_semaphore(%dma_start3A_424 : memref<!tpu.dma_semaphore, #tpu.memory_space<semaphore_mem>>)
      } else {
      }
      %dma_wait3A_133 = arith.constant 0 : i32
      %dma_wait3A_134 = arith.constant 0 : i32
      %dma_wait3A_135 = arith.constant 0 : i32
      %dma_wait3A_136 = arith.constant 0 : i32
      %dma_wait3A_137 = arith.constant 0 : i32
      %dma_wait3A_138 = tpu.memref_slice %arg6[%dma_wait3A_134, %dma_wait3A_136, %dma_wait3A_137] : memref<4x128x128xf32, #tpu.memory_space<vmem>> -> memref<1x128x128xf32, #tpu.memory_space<vmem>>
      %dma_wait3A_139 = tpu.memref_squeeze %dma_wait3A_138 : memref<1x128x128xf32, #tpu.memory_space<vmem>> -> memref<128x128xf32, #tpu.memory_space<vmem>>
      %dma_wait3A_140 = arith.constant 0 : i32
      %dma_wait3A_141 = tpu.memref_slice %arg5[%dma_wait3A_133, %dma_wait3A_140] : memref<200x128xi32, #tpu.memory_space<vmem>> -> memref<1x128xi32, #tpu.memory_space<vmem>>
      %dma_wait3A_142 = tpu.memref_squeeze %dma_wait3A_141 : memref<1x128xi32, #tpu.memory_space<vmem>> -> memref<128xi32, #tpu.memory_space<vmem>>
      %dma_wait3A_143 = arith.constant 0 : i32
      %dma_wait3A_144 = arith.constant 0 : i32
      %dma_wait3A_145 = tpu.memref_slice %arg2[%dma_wait3A_143, %dma_wait3A_144] : memref<100000x128xf32, #tpu.memory_space<hbm>> -> memref<100000x128xf32, #tpu.memory_space<hbm>>
      %dma_wait3A_146 = tpu.memref_slice %arg8[%dma_wait3A_135] : memref<4x!tpu.dma_semaphore, #tpu.memory_space<semaphore_mem>> -> memref<1x!tpu.dma_semaphore, #tpu.memory_space<semaphore_mem>>
      %dma_wait3A_147 = tpu.memref_squeeze %dma_wait3A_146 : memref<1x!tpu.dma_semaphore, #tpu.memory_space<semaphore_mem>> -> memref<!tpu.dma_semaphore, #tpu.memory_space<semaphore_mem>>
      tpu.wait_indirect_dma semaphore(%dma_wait3A_147 : memref<!tpu.dma_semaphore, #tpu.memory_space<semaphore_mem>>) src(%dma_wait3A_145 : memref<100000x128xf32, #tpu.memory_space<hbm>>) dst(%dma_wait3A_139 : memref<128x128xf32, #tpu.memory_space<vmem>>)
      %ge3A_148 = arith.constant 2 : i32
      %ge3A_149 = arith.cmpi sge, %add3A_124, %ge3A_148 : i32
      %convert_element_type3A_150 = arith.extui %ge3A_149 : i1 to i32
      %cond3A_151 = arith.constant 0 : i32
      %cond3A_152 = arith.cmpi ne, %convert_element_type3A_150, %cond3A_151 : i32
      scf.if %cond3A_152 {
        %add3A_386 = arith.constant 0 : i32
        %add3A_387 = arith.addi %mul3A_2, %add3A_386 : i32
        %dma_wait3A_388 = arith.constant 0 : i32
        %dma_wait3A_389 = arith.constant 0 : i32
        %dma_wait3A_390 = tpu.memref_slice %arg10[%dma_wait3A_389] : memref<4x!tpu.dma_semaphore, #tpu.memory_space<semaphore_mem>> -> memref<1x!tpu.dma_semaphore, #tpu.memory_space<semaphore_mem>>
        %dma_wait3A_391 = tpu.memref_squeeze %dma_wait3A_390 : memref<1x!tpu.dma_semaphore, #tpu.memory_space<semaphore_mem>> -> memref<!tpu.dma_semaphore, #tpu.memory_space<semaphore_mem>>
        %dma_wait3A_392 = arith.constant 0 : i32
        %dma_wait3A_393 = tpu.memref_slice %arg4[%add3A_387, %dma_wait3A_392] : memref<819200x128xf32, #tpu.memory_space<hbm>> -> memref<128x128xf32, #tpu.memory_space<hbm>>
        %dma_wait3A_394 = arith.constant 0 : i32
        %dma_wait3A_395 = arith.constant 0 : i32
        %dma_wait3A_396 = arith.constant 0 : i32
        %dma_wait3A_397 = tpu.memref_slice %arg7[%arg1, %dma_wait3A_394, %dma_wait3A_395, %dma_wait3A_396] : memref<16x2x128x128xf32, #tpu.memory_space<vmem_shared>> -> memref<1x2x128x128xf32, #tpu.memory_space<vmem_shared>>
        %dma_wait3A_398 = tpu.memref_squeeze %dma_wait3A_397 : memref<1x2x128x128xf32, #tpu.memory_space<vmem_shared>> -> memref<2x128x128xf32, #tpu.memory_space<vmem_shared>>
        %dma_wait3A_399 = arith.constant 0 : i32
        %dma_wait3A_400 = arith.constant 0 : i32
        %dma_wait3A_401 = tpu.memref_slice %dma_wait3A_398[%dma_wait3A_388, %dma_wait3A_399, %dma_wait3A_400] : memref<2x128x128xf32, #tpu.memory_space<vmem_shared>> -> memref<1x128x128xf32, #tpu.memory_space<vmem_shared>>
        %dma_wait3A_402 = tpu.memref_squeeze %dma_wait3A_401 : memref<1x128x128xf32, #tpu.memory_space<vmem_shared>> -> memref<128x128xf32, #tpu.memory_space<vmem_shared>>
        tpu.wait_dma2 semaphore(%dma_wait3A_391 : memref<!tpu.dma_semaphore, #tpu.memory_space<semaphore_mem>>) src(%dma_wait3A_402 : memref<128x128xf32, #tpu.memory_space<vmem_shared>>) dst(%dma_wait3A_393 : memref<128x128xf32, #tpu.memory_space<hbm>>)
      } else {
      }
      %dma_start3A_153 = arith.constant 0 : i32
      %dma_start3A_154 = arith.constant 0 : i32
      %dma_start3A_155 = arith.constant 0 : i32
      %dma_start3A_156 = arith.constant 0 : i32
      %dma_start3A_157 = arith.constant 0 : i32
      %dma_start3A_158 = tpu.memref_slice %arg6[%dma_start3A_153, %dma_start3A_156, %dma_start3A_157] : memref<4x128x128xf32, #tpu.memory_space<vmem>> -> memref<1x128x128xf32, #tpu.memory_space<vmem>>
      %dma_start3A_159 = tpu.memref_squeeze %dma_start3A_158 : memref<1x128x128xf32, #tpu.memory_space<vmem>> -> memref<128x128xf32, #tpu.memory_space<vmem>>
      %dma_start3A_160 = arith.constant 0 : i32
      %dma_start3A_161 = arith.constant 0 : i32
      %dma_start3A_162 = arith.constant 0 : i32
      %dma_start3A_163 = tpu.memref_slice %arg7[%arg1, %dma_start3A_160, %dma_start3A_161, %dma_start3A_162] : memref<16x2x128x128xf32, #tpu.memory_space<vmem_shared>> -> memref<1x2x128x128xf32, #tpu.memory_space<vmem_shared>>
      %dma_start3A_164 = tpu.memref_squeeze %dma_start3A_163 : memref<1x2x128x128xf32, #tpu.memory_space<vmem_shared>> -> memref<2x128x128xf32, #tpu.memory_space<vmem_shared>>
      %dma_start3A_165 = arith.constant 0 : i32
      %dma_start3A_166 = arith.constant 0 : i32
      %dma_start3A_167 = tpu.memref_slice %dma_start3A_164[%dma_start3A_154, %dma_start3A_165, %dma_start3A_166] : memref<2x128x128xf32, #tpu.memory_space<vmem_shared>> -> memref<1x128x128xf32, #tpu.memory_space<vmem_shared>>
      %dma_start3A_168 = tpu.memref_squeeze %dma_start3A_167 : memref<1x128x128xf32, #tpu.memory_space<vmem_shared>> -> memref<128x128xf32, #tpu.memory_space<vmem_shared>>
      %dma_start3A_169 = tpu.memref_slice %arg9[%dma_start3A_155] : memref<4x!tpu.dma_semaphore, #tpu.memory_space<semaphore_mem>> -> memref<1x!tpu.dma_semaphore, #tpu.memory_space<semaphore_mem>>
      %dma_start3A_170 = tpu.memref_squeeze %dma_start3A_169 : memref<1x!tpu.dma_semaphore, #tpu.memory_space<semaphore_mem>> -> memref<!tpu.dma_semaphore, #tpu.memory_space<semaphore_mem>>
      %dma_start3A_171 = arith.constant 0 : i32
      %dma_start3A_172 = arith.constant 0 : i32
      %dma_start3A_173 = arith.constant 0 : i32
      %dma_start3A_174 = tpu.memref_slice %arg7[%arg1, %dma_start3A_171, %dma_start3A_172, %dma_start3A_173] : memref<16x2x128x128xf32, #tpu.memory_space<vmem_shared>> -> memref<1x2x128x128xf32, #tpu.memory_space<vmem_shared>>
      %dma_start3A_175 = tpu.memref_squeeze %dma_start3A_174 : memref<1x2x128x128xf32, #tpu.memory_space<vmem_shared>> -> memref<2x128x128xf32, #tpu.memory_space<vmem_shared>>
      %dma_start3A_176 = arith.constant 0 : i32
      %dma_start3A_177 = arith.constant 0 : i32
      %dma_start3A_178 = tpu.memref_slice %dma_start3A_175[%dma_start3A_154, %dma_start3A_176, %dma_start3A_177] : memref<2x128x128xf32, #tpu.memory_space<vmem_shared>> -> memref<1x128x128xf32, #tpu.memory_space<vmem_shared>>
      %dma_start3A_179 = tpu.memref_squeeze %dma_start3A_178 : memref<1x128x128xf32, #tpu.memory_space<vmem_shared>> -> memref<128x128xf32, #tpu.memory_space<vmem_shared>>
      %dma_start3A_180 = arith.constant 0 : i32
      %dma_start3A_181 = arith.constant 0 : i32
      %dma_start3A_182 = tpu.memref_slice %arg6[%dma_start3A_153, %dma_start3A_180, %dma_start3A_181] : memref<4x128x128xf32, #tpu.memory_space<vmem>> -> memref<1x128x128xf32, #tpu.memory_space<vmem>>
      %dma_start3A_183 = tpu.memref_squeeze %dma_start3A_182 : memref<1x128x128xf32, #tpu.memory_space<vmem>> -> memref<128x128xf32, #tpu.memory_space<vmem>>
      tpu.enqueue_dma source(%dma_start3A_183 : memref<128x128xf32, #tpu.memory_space<vmem>>) target(%dma_start3A_179 : memref<128x128xf32, #tpu.memory_space<vmem_shared>>) target_semaphore(%dma_start3A_170 : memref<!tpu.dma_semaphore, #tpu.memory_space<semaphore_mem>>)
      %mul3A_184 = arith.constant 4 : i32
      %mul3A_185 = arith.muli %mul3A_184, %scan3A_119 : i32
      %add3A_186 = arith.constant 1 : i32
      %add3A_187 = arith.addi %mul3A_185, %add3A_186 : i32
      %add3A_188 = arith.constant 2 : i32
      %add3A_189 = arith.addi %add3A_187, %add3A_188 : i32
      %lt3A_190 = arith.constant 200 : i32
      %lt3A_191 = arith.cmpi slt, %add3A_189, %lt3A_190 : i32
      %convert_element_type3A_192 = arith.extui %lt3A_191 : i1 to i32
      %cond3A_193 = arith.constant 0 : i32
      %cond3A_194 = arith.cmpi ne, %convert_element_type3A_192, %cond3A_193 : i32
      scf.if %cond3A_194 {
        %add3A_386 = arith.constant 2 : i32
        %add3A_387 = arith.addi %add3A_187, %add3A_386 : i32
        %dma_start3A_388 = arith.constant 3 : i32
        %dma_start3A_389 = arith.constant 3 : i32
        %dma_start3A_390 = arith.constant 0 : i32
        %dma_start3A_391 = arith.constant 0 : i32
        %dma_start3A_392 = tpu.memref_slice %arg6[%dma_start3A_388, %dma_start3A_390, %dma_start3A_391] : memref<4x128x128xf32, #tpu.memory_space<vmem>> -> memref<1x128x128xf32, #tpu.memory_space<vmem>>
        %dma_start3A_393 = tpu.memref_squeeze %dma_start3A_392 : memref<1x128x128xf32, #tpu.memory_space<vmem>> -> memref<128x128xf32, #tpu.memory_space<vmem>>
        %dma_start3A_394 = arith.constant 0 : i32
        %dma_start3A_395 = tpu.memref_slice %arg5[%add3A_387, %dma_start3A_394] : memref<200x128xi32, #tpu.memory_space<vmem>> -> memref<1x128xi32, #tpu.memory_space<vmem>>
        %dma_start3A_396 = tpu.memref_squeeze %dma_start3A_395 : memref<1x128xi32, #tpu.memory_space<vmem>> -> memref<128xi32, #tpu.memory_space<vmem>>
        %dma_start3A_397 = arith.constant 0 : i32
        %dma_start3A_398 = arith.constant 0 : i32
        %dma_start3A_399 = tpu.memref_slice %arg2[%dma_start3A_397, %dma_start3A_398] : memref<100000x128xf32, #tpu.memory_space<hbm>> -> memref<100000x128xf32, #tpu.memory_space<hbm>>
        %dma_start3A_400 = tpu.memref_slice %arg8[%dma_start3A_389] : memref<4x!tpu.dma_semaphore, #tpu.memory_space<semaphore_mem>> -> memref<1x!tpu.dma_semaphore, #tpu.memory_space<semaphore_mem>>
        %dma_start3A_401 = tpu.memref_squeeze %dma_start3A_400 : memref<1x!tpu.dma_semaphore, #tpu.memory_space<semaphore_mem>> -> memref<!tpu.dma_semaphore, #tpu.memory_space<semaphore_mem>>
        tpu.enqueue_indirect_dma source(%dma_start3A_399 : memref<100000x128xf32, #tpu.memory_space<hbm>>) target(%dma_start3A_393 : memref<128x128xf32, #tpu.memory_space<vmem>>) offsets(%dma_start3A_396 : memref<128xi32, #tpu.memory_space<vmem>>) semaphore(%dma_start3A_401 : memref<!tpu.dma_semaphore, #tpu.memory_space<semaphore_mem>>)
      } else {
      }
      %ge3A_195 = arith.constant 1 : i32
      %ge3A_196 = arith.cmpi sge, %add3A_187, %ge3A_195 : i32
      %convert_element_type3A_197 = arith.extui %ge3A_196 : i1 to i32
      %cond3A_198 = arith.constant 0 : i32
      %cond3A_199 = arith.cmpi ne, %convert_element_type3A_197, %cond3A_198 : i32
      scf.if %cond3A_199 {
        %dma_wait3A_386 = arith.constant 0 : i32
        %dma_wait3A_387 = arith.constant 0 : i32
        %dma_wait3A_388 = arith.constant 0 : i32
        %dma_wait3A_389 = arith.constant 0 : i32
        %dma_wait3A_390 = arith.constant 0 : i32
        %dma_wait3A_391 = tpu.memref_slice %arg6[%dma_wait3A_386, %dma_wait3A_389, %dma_wait3A_390] : memref<4x128x128xf32, #tpu.memory_space<vmem>> -> memref<1x128x128xf32, #tpu.memory_space<vmem>>
        %dma_wait3A_392 = tpu.memref_squeeze %dma_wait3A_391 : memref<1x128x128xf32, #tpu.memory_space<vmem>> -> memref<128x128xf32, #tpu.memory_space<vmem>>
        %dma_wait3A_393 = arith.constant 0 : i32
        %dma_wait3A_394 = arith.constant 0 : i32
        %dma_wait3A_395 = arith.constant 0 : i32
        %dma_wait3A_396 = tpu.memref_slice %arg7[%arg1, %dma_wait3A_393, %dma_wait3A_394, %dma_wait3A_395] : memref<16x2x128x128xf32, #tpu.memory_space<vmem_shared>> -> memref<1x2x128x128xf32, #tpu.memory_space<vmem_shared>>
        %dma_wait3A_397 = tpu.memref_squeeze %dma_wait3A_396 : memref<1x2x128x128xf32, #tpu.memory_space<vmem_shared>> -> memref<2x128x128xf32, #tpu.memory_space<vmem_shared>>
        %dma_wait3A_398 = arith.constant 0 : i32
        %dma_wait3A_399 = arith.constant 0 : i32
        %dma_wait3A_400 = tpu.memref_slice %dma_wait3A_397[%dma_wait3A_387, %dma_wait3A_398, %dma_wait3A_399] : memref<2x128x128xf32, #tpu.memory_space<vmem_shared>> -> memref<1x128x128xf32, #tpu.memory_space<vmem_shared>>
        %dma_wait3A_401 = tpu.memref_squeeze %dma_wait3A_400 : memref<1x128x128xf32, #tpu.memory_space<vmem_shared>> -> memref<128x128xf32, #tpu.memory_space<vmem_shared>>
        %dma_wait3A_402 = tpu.memref_slice %arg9[%dma_wait3A_388] : memref<4x!tpu.dma_semaphore, #tpu.memory_space<semaphore_mem>> -> memref<1x!tpu.dma_semaphore, #tpu.memory_space<semaphore_mem>>
        %dma_wait3A_403 = tpu.memref_squeeze %dma_wait3A_402 : memref<1x!tpu.dma_semaphore, #tpu.memory_space<semaphore_mem>> -> memref<!tpu.dma_semaphore, #tpu.memory_space<semaphore_mem>>
        %dma_wait3A_404 = arith.constant 0 : i32
        %dma_wait3A_405 = arith.constant 0 : i32
        %dma_wait3A_406 = arith.constant 0 : i32
        %dma_wait3A_407 = tpu.memref_slice %arg7[%arg1, %dma_wait3A_404, %dma_wait3A_405, %dma_wait3A_406] : memref<16x2x128x128xf32, #tpu.memory_space<vmem_shared>> -> memref<1x2x128x128xf32, #tpu.memory_space<vmem_shared>>
        %dma_wait3A_408 = tpu.memref_squeeze %dma_wait3A_407 : memref<1x2x128x128xf32, #tpu.memory_space<vmem_shared>> -> memref<2x128x128xf32, #tpu.memory_space<vmem_shared>>
        %dma_wait3A_409 = arith.constant 0 : i32
        %dma_wait3A_410 = arith.constant 0 : i32
        %dma_wait3A_411 = tpu.memref_slice %dma_wait3A_408[%dma_wait3A_387, %dma_wait3A_409, %dma_wait3A_410] : memref<2x128x128xf32, #tpu.memory_space<vmem_shared>> -> memref<1x128x128xf32, #tpu.memory_space<vmem_shared>>
        %dma_wait3A_412 = tpu.memref_squeeze %dma_wait3A_411 : memref<1x128x128xf32, #tpu.memory_space<vmem_shared>> -> memref<128x128xf32, #tpu.memory_space<vmem_shared>>
        %dma_wait3A_413 = arith.constant 0 : i32
        %dma_wait3A_414 = arith.constant 0 : i32
        %dma_wait3A_415 = tpu.memref_slice %arg6[%dma_wait3A_386, %dma_wait3A_413, %dma_wait3A_414] : memref<4x128x128xf32, #tpu.memory_space<vmem>> -> memref<1x128x128xf32, #tpu.memory_space<vmem>>
        %dma_wait3A_416 = tpu.memref_squeeze %dma_wait3A_415 : memref<1x128x128xf32, #tpu.memory_space<vmem>> -> memref<128x128xf32, #tpu.memory_space<vmem>>
        tpu.wait_dma2 semaphore(%dma_wait3A_403 : memref<!tpu.dma_semaphore, #tpu.memory_space<semaphore_mem>>) src(%dma_wait3A_416 : memref<128x128xf32, #tpu.memory_space<vmem>>) dst(%dma_wait3A_412 : memref<128x128xf32, #tpu.memory_space<vmem_shared>>)
        %sub3A = arith.constant 1 : i32
        %sub3A_417 = arith.subi %add3A_187, %sub3A : i32
        %mul3A_418 = arith.constant 128 : i32
        %mul3A_419 = arith.muli %sub3A_417, %mul3A_418 : i32
        %add3A_420 = arith.addi %mul3A_2, %mul3A_419 : i32
        %dma_start3A_421 = arith.constant 0 : i32
        %dma_start3A_422 = arith.constant 0 : i32
        %dma_start3A_423 = tpu.memref_slice %arg10[%dma_start3A_422] : memref<4x!tpu.dma_semaphore, #tpu.memory_space<semaphore_mem>> -> memref<1x!tpu.dma_semaphore, #tpu.memory_space<semaphore_mem>>
        %dma_start3A_424 = tpu.memref_squeeze %dma_start3A_423 : memref<1x!tpu.dma_semaphore, #tpu.memory_space<semaphore_mem>> -> memref<!tpu.dma_semaphore, #tpu.memory_space<semaphore_mem>>
        %dma_start3A_425 = arith.constant 0 : i32
        %dma_start3A_426 = tpu.memref_slice %arg4[%add3A_420, %dma_start3A_425] : memref<819200x128xf32, #tpu.memory_space<hbm>> -> memref<128x128xf32, #tpu.memory_space<hbm>>
        %dma_start3A_427 = arith.constant 0 : i32
        %dma_start3A_428 = arith.constant 0 : i32
        %dma_start3A_429 = arith.constant 0 : i32
        %dma_start3A_430 = tpu.memref_slice %arg7[%arg1, %dma_start3A_427, %dma_start3A_428, %dma_start3A_429] : memref<16x2x128x128xf32, #tpu.memory_space<vmem_shared>> -> memref<1x2x128x128xf32, #tpu.memory_space<vmem_shared>>
        %dma_start3A_431 = tpu.memref_squeeze %dma_start3A_430 : memref<1x2x128x128xf32, #tpu.memory_space<vmem_shared>> -> memref<2x128x128xf32, #tpu.memory_space<vmem_shared>>
        %dma_start3A_432 = arith.constant 0 : i32
        %dma_start3A_433 = arith.constant 0 : i32
        %dma_start3A_434 = tpu.memref_slice %dma_start3A_431[%dma_start3A_421, %dma_start3A_432, %dma_start3A_433] : memref<2x128x128xf32, #tpu.memory_space<vmem_shared>> -> memref<1x128x128xf32, #tpu.memory_space<vmem_shared>>
        %dma_start3A_435 = tpu.memref_squeeze %dma_start3A_434 : memref<1x128x128xf32, #tpu.memory_space<vmem_shared>> -> memref<128x128xf32, #tpu.memory_space<vmem_shared>>
        tpu.enqueue_dma source(%dma_start3A_435 : memref<128x128xf32, #tpu.memory_space<vmem_shared>>) target(%dma_start3A_426 : memref<128x128xf32, #tpu.memory_space<hbm>>) target_semaphore(%dma_start3A_424 : memref<!tpu.dma_semaphore, #tpu.memory_space<semaphore_mem>>)
      } else {
      }
      %dma_wait3A_200 = arith.constant 0 : i32
      %dma_wait3A_201 = arith.constant 1 : i32
      %dma_wait3A_202 = arith.constant 1 : i32
      %dma_wait3A_203 = arith.constant 0 : i32
      %dma_wait3A_204 = arith.constant 0 : i32
      %dma_wait3A_205 = tpu.memref_slice %arg6[%dma_wait3A_201, %dma_wait3A_203, %dma_wait3A_204] : memref<4x128x128xf32, #tpu.memory_space<vmem>> -> memref<1x128x128xf32, #tpu.memory_space<vmem>>
      %dma_wait3A_206 = tpu.memref_squeeze %dma_wait3A_205 : memref<1x128x128xf32, #tpu.memory_space<vmem>> -> memref<128x128xf32, #tpu.memory_space<vmem>>
      %dma_wait3A_207 = arith.constant 0 : i32
      %dma_wait3A_208 = tpu.memref_slice %arg5[%dma_wait3A_200, %dma_wait3A_207] : memref<200x128xi32, #tpu.memory_space<vmem>> -> memref<1x128xi32, #tpu.memory_space<vmem>>
      %dma_wait3A_209 = tpu.memref_squeeze %dma_wait3A_208 : memref<1x128xi32, #tpu.memory_space<vmem>> -> memref<128xi32, #tpu.memory_space<vmem>>
      %dma_wait3A_210 = arith.constant 0 : i32
      %dma_wait3A_211 = arith.constant 0 : i32
      %dma_wait3A_212 = tpu.memref_slice %arg2[%dma_wait3A_210, %dma_wait3A_211] : memref<100000x128xf32, #tpu.memory_space<hbm>> -> memref<100000x128xf32, #tpu.memory_space<hbm>>
      %dma_wait3A_213 = tpu.memref_slice %arg8[%dma_wait3A_202] : memref<4x!tpu.dma_semaphore, #tpu.memory_space<semaphore_mem>> -> memref<1x!tpu.dma_semaphore, #tpu.memory_space<semaphore_mem>>
      %dma_wait3A_214 = tpu.memref_squeeze %dma_wait3A_213 : memref<1x!tpu.dma_semaphore, #tpu.memory_space<semaphore_mem>> -> memref<!tpu.dma_semaphore, #tpu.memory_space<semaphore_mem>>
      tpu.wait_indirect_dma semaphore(%dma_wait3A_214 : memref<!tpu.dma_semaphore, #tpu.memory_space<semaphore_mem>>) src(%dma_wait3A_212 : memref<100000x128xf32, #tpu.memory_space<hbm>>) dst(%dma_wait3A_206 : memref<128x128xf32, #tpu.memory_space<vmem>>)
      %ge3A_215 = arith.constant 2 : i32
      %ge3A_216 = arith.cmpi sge, %add3A_187, %ge3A_215 : i32
      %convert_element_type3A_217 = arith.extui %ge3A_216 : i1 to i32
      %cond3A_218 = arith.constant 0 : i32
      %cond3A_219 = arith.cmpi ne, %convert_element_type3A_217, %cond3A_218 : i32
      scf.if %cond3A_219 {
        %add3A_386 = arith.constant 0 : i32
        %add3A_387 = arith.addi %mul3A_2, %add3A_386 : i32
        %dma_wait3A_388 = arith.constant 1 : i32
        %dma_wait3A_389 = arith.constant 1 : i32
        %dma_wait3A_390 = tpu.memref_slice %arg10[%dma_wait3A_389] : memref<4x!tpu.dma_semaphore, #tpu.memory_space<semaphore_mem>> -> memref<1x!tpu.dma_semaphore, #tpu.memory_space<semaphore_mem>>
        %dma_wait3A_391 = tpu.memref_squeeze %dma_wait3A_390 : memref<1x!tpu.dma_semaphore, #tpu.memory_space<semaphore_mem>> -> memref<!tpu.dma_semaphore, #tpu.memory_space<semaphore_mem>>
        %dma_wait3A_392 = arith.constant 0 : i32
        %dma_wait3A_393 = tpu.memref_slice %arg4[%add3A_387, %dma_wait3A_392] : memref<819200x128xf32, #tpu.memory_space<hbm>> -> memref<128x128xf32, #tpu.memory_space<hbm>>
        %dma_wait3A_394 = arith.constant 0 : i32
        %dma_wait3A_395 = arith.constant 0 : i32
        %dma_wait3A_396 = arith.constant 0 : i32
        %dma_wait3A_397 = tpu.memref_slice %arg7[%arg1, %dma_wait3A_394, %dma_wait3A_395, %dma_wait3A_396] : memref<16x2x128x128xf32, #tpu.memory_space<vmem_shared>> -> memref<1x2x128x128xf32, #tpu.memory_space<vmem_shared>>
        %dma_wait3A_398 = tpu.memref_squeeze %dma_wait3A_397 : memref<1x2x128x128xf32, #tpu.memory_space<vmem_shared>> -> memref<2x128x128xf32, #tpu.memory_space<vmem_shared>>
        %dma_wait3A_399 = arith.constant 0 : i32
        %dma_wait3A_400 = arith.constant 0 : i32
        %dma_wait3A_401 = tpu.memref_slice %dma_wait3A_398[%dma_wait3A_388, %dma_wait3A_399, %dma_wait3A_400] : memref<2x128x128xf32, #tpu.memory_space<vmem_shared>> -> memref<1x128x128xf32, #tpu.memory_space<vmem_shared>>
        %dma_wait3A_402 = tpu.memref_squeeze %dma_wait3A_401 : memref<1x128x128xf32, #tpu.memory_space<vmem_shared>> -> memref<128x128xf32, #tpu.memory_space<vmem_shared>>
        tpu.wait_dma2 semaphore(%dma_wait3A_391 : memref<!tpu.dma_semaphore, #tpu.memory_space<semaphore_mem>>) src(%dma_wait3A_402 : memref<128x128xf32, #tpu.memory_space<vmem_shared>>) dst(%dma_wait3A_393 : memref<128x128xf32, #tpu.memory_space<hbm>>)
      } else {
      }
      %dma_start3A_220 = arith.constant 1 : i32
      %dma_start3A_221 = arith.constant 1 : i32
      %dma_start3A_222 = arith.constant 1 : i32
      %dma_start3A_223 = arith.constant 0 : i32
      %dma_start3A_224 = arith.constant 0 : i32
      %dma_start3A_225 = tpu.memref_slice %arg6[%dma_start3A_220, %dma_start3A_223, %dma_start3A_224] : memref<4x128x128xf32, #tpu.memory_space<vmem>> -> memref<1x128x128xf32, #tpu.memory_space<vmem>>
      %dma_start3A_226 = tpu.memref_squeeze %dma_start3A_225 : memref<1x128x128xf32, #tpu.memory_space<vmem>> -> memref<128x128xf32, #tpu.memory_space<vmem>>
      %dma_start3A_227 = arith.constant 0 : i32
      %dma_start3A_228 = arith.constant 0 : i32
      %dma_start3A_229 = arith.constant 0 : i32
      %dma_start3A_230 = tpu.memref_slice %arg7[%arg1, %dma_start3A_227, %dma_start3A_228, %dma_start3A_229] : memref<16x2x128x128xf32, #tpu.memory_space<vmem_shared>> -> memref<1x2x128x128xf32, #tpu.memory_space<vmem_shared>>
      %dma_start3A_231 = tpu.memref_squeeze %dma_start3A_230 : memref<1x2x128x128xf32, #tpu.memory_space<vmem_shared>> -> memref<2x128x128xf32, #tpu.memory_space<vmem_shared>>
      %dma_start3A_232 = arith.constant 0 : i32
      %dma_start3A_233 = arith.constant 0 : i32
      %dma_start3A_234 = tpu.memref_slice %dma_start3A_231[%dma_start3A_221, %dma_start3A_232, %dma_start3A_233] : memref<2x128x128xf32, #tpu.memory_space<vmem_shared>> -> memref<1x128x128xf32, #tpu.memory_space<vmem_shared>>
      %dma_start3A_235 = tpu.memref_squeeze %dma_start3A_234 : memref<1x128x128xf32, #tpu.memory_space<vmem_shared>> -> memref<128x128xf32, #tpu.memory_space<vmem_shared>>
      %dma_start3A_236 = tpu.memref_slice %arg9[%dma_start3A_222] : memref<4x!tpu.dma_semaphore, #tpu.memory_space<semaphore_mem>> -> memref<1x!tpu.dma_semaphore, #tpu.memory_space<semaphore_mem>>
      %dma_start3A_237 = tpu.memref_squeeze %dma_start3A_236 : memref<1x!tpu.dma_semaphore, #tpu.memory_space<semaphore_mem>> -> memref<!tpu.dma_semaphore, #tpu.memory_space<semaphore_mem>>
      %dma_start3A_238 = arith.constant 0 : i32
      %dma_start3A_239 = arith.constant 0 : i32
      %dma_start3A_240 = arith.constant 0 : i32
      %dma_start3A_241 = tpu.memref_slice %arg7[%arg1, %dma_start3A_238, %dma_start3A_239, %dma_start3A_240] : memref<16x2x128x128xf32, #tpu.memory_space<vmem_shared>> -> memref<1x2x128x128xf32, #tpu.memory_space<vmem_shared>>
      %dma_start3A_242 = tpu.memref_squeeze %dma_start3A_241 : memref<1x2x128x128xf32, #tpu.memory_space<vmem_shared>> -> memref<2x128x128xf32, #tpu.memory_space<vmem_shared>>
      %dma_start3A_243 = arith.constant 0 : i32
      %dma_start3A_244 = arith.constant 0 : i32
      %dma_start3A_245 = tpu.memref_slice %dma_start3A_242[%dma_start3A_221, %dma_start3A_243, %dma_start3A_244] : memref<2x128x128xf32, #tpu.memory_space<vmem_shared>> -> memref<1x128x128xf32, #tpu.memory_space<vmem_shared>>
      %dma_start3A_246 = tpu.memref_squeeze %dma_start3A_245 : memref<1x128x128xf32, #tpu.memory_space<vmem_shared>> -> memref<128x128xf32, #tpu.memory_space<vmem_shared>>
      %dma_start3A_247 = arith.constant 0 : i32
      %dma_start3A_248 = arith.constant 0 : i32
      %dma_start3A_249 = tpu.memref_slice %arg6[%dma_start3A_220, %dma_start3A_247, %dma_start3A_248] : memref<4x128x128xf32, #tpu.memory_space<vmem>> -> memref<1x128x128xf32, #tpu.memory_space<vmem>>
      %dma_start3A_250 = tpu.memref_squeeze %dma_start3A_249 : memref<1x128x128xf32, #tpu.memory_space<vmem>> -> memref<128x128xf32, #tpu.memory_space<vmem>>
      tpu.enqueue_dma source(%dma_start3A_250 : memref<128x128xf32, #tpu.memory_space<vmem>>) target(%dma_start3A_246 : memref<128x128xf32, #tpu.memory_space<vmem_shared>>) target_semaphore(%dma_start3A_237 : memref<!tpu.dma_semaphore, #tpu.memory_space<semaphore_mem>>)
      %mul3A_251 = arith.constant 4 : i32
      %mul3A_252 = arith.muli %mul3A_251, %scan3A_119 : i32
      %add3A_253 = arith.constant 2 : i32
      %add3A_254 = arith.addi %mul3A_252, %add3A_253 : i32
      %add3A_255 = arith.constant 2 : i32
      %add3A_256 = arith.addi %add3A_254, %add3A_255 : i32
      %lt3A_257 = arith.constant 200 : i32
      %lt3A_258 = arith.cmpi slt, %add3A_256, %lt3A_257 : i32
      %convert_element_type3A_259 = arith.extui %lt3A_258 : i1 to i32
      %cond3A_260 = arith.constant 0 : i32
      %cond3A_261 = arith.cmpi ne, %convert_element_type3A_259, %cond3A_260 : i32
      scf.if %cond3A_261 {
        %add3A_386 = arith.constant 2 : i32
        %add3A_387 = arith.addi %add3A_254, %add3A_386 : i32
        %dma_start3A_388 = arith.constant 0 : i32
        %dma_start3A_389 = arith.constant 0 : i32
        %dma_start3A_390 = arith.constant 0 : i32
        %dma_start3A_391 = arith.constant 0 : i32
        %dma_start3A_392 = tpu.memref_slice %arg6[%dma_start3A_388, %dma_start3A_390, %dma_start3A_391] : memref<4x128x128xf32, #tpu.memory_space<vmem>> -> memref<1x128x128xf32, #tpu.memory_space<vmem>>
        %dma_start3A_393 = tpu.memref_squeeze %dma_start3A_392 : memref<1x128x128xf32, #tpu.memory_space<vmem>> -> memref<128x128xf32, #tpu.memory_space<vmem>>
        %dma_start3A_394 = arith.constant 0 : i32
        %dma_start3A_395 = tpu.memref_slice %arg5[%add3A_387, %dma_start3A_394] : memref<200x128xi32, #tpu.memory_space<vmem>> -> memref<1x128xi32, #tpu.memory_space<vmem>>
        %dma_start3A_396 = tpu.memref_squeeze %dma_start3A_395 : memref<1x128xi32, #tpu.memory_space<vmem>> -> memref<128xi32, #tpu.memory_space<vmem>>
        %dma_start3A_397 = arith.constant 0 : i32
        %dma_start3A_398 = arith.constant 0 : i32
        %dma_start3A_399 = tpu.memref_slice %arg2[%dma_start3A_397, %dma_start3A_398] : memref<100000x128xf32, #tpu.memory_space<hbm>> -> memref<100000x128xf32, #tpu.memory_space<hbm>>
        %dma_start3A_400 = tpu.memref_slice %arg8[%dma_start3A_389] : memref<4x!tpu.dma_semaphore, #tpu.memory_space<semaphore_mem>> -> memref<1x!tpu.dma_semaphore, #tpu.memory_space<semaphore_mem>>
        %dma_start3A_401 = tpu.memref_squeeze %dma_start3A_400 : memref<1x!tpu.dma_semaphore, #tpu.memory_space<semaphore_mem>> -> memref<!tpu.dma_semaphore, #tpu.memory_space<semaphore_mem>>
        tpu.enqueue_indirect_dma source(%dma_start3A_399 : memref<100000x128xf32, #tpu.memory_space<hbm>>) target(%dma_start3A_393 : memref<128x128xf32, #tpu.memory_space<vmem>>) offsets(%dma_start3A_396 : memref<128xi32, #tpu.memory_space<vmem>>) semaphore(%dma_start3A_401 : memref<!tpu.dma_semaphore, #tpu.memory_space<semaphore_mem>>)
      } else {
      }
      %ge3A_262 = arith.constant 1 : i32
      %ge3A_263 = arith.cmpi sge, %add3A_254, %ge3A_262 : i32
      %convert_element_type3A_264 = arith.extui %ge3A_263 : i1 to i32
      %cond3A_265 = arith.constant 0 : i32
      %cond3A_266 = arith.cmpi ne, %convert_element_type3A_264, %cond3A_265 : i32
      scf.if %cond3A_266 {
        %dma_wait3A_386 = arith.constant 1 : i32
        %dma_wait3A_387 = arith.constant 1 : i32
        %dma_wait3A_388 = arith.constant 1 : i32
        %dma_wait3A_389 = arith.constant 0 : i32
        %dma_wait3A_390 = arith.constant 0 : i32
        %dma_wait3A_391 = tpu.memref_slice %arg6[%dma_wait3A_386, %dma_wait3A_389, %dma_wait3A_390] : memref<4x128x128xf32, #tpu.memory_space<vmem>> -> memref<1x128x128xf32, #tpu.memory_space<vmem>>
        %dma_wait3A_392 = tpu.memref_squeeze %dma_wait3A_391 : memref<1x128x128xf32, #tpu.memory_space<vmem>> -> memref<128x128xf32, #tpu.memory_space<vmem>>
        %dma_wait3A_393 = arith.constant 0 : i32
        %dma_wait3A_394 = arith.constant 0 : i32
        %dma_wait3A_395 = arith.constant 0 : i32
        %dma_wait3A_396 = tpu.memref_slice %arg7[%arg1, %dma_wait3A_393, %dma_wait3A_394, %dma_wait3A_395] : memref<16x2x128x128xf32, #tpu.memory_space<vmem_shared>> -> memref<1x2x128x128xf32, #tpu.memory_space<vmem_shared>>
        %dma_wait3A_397 = tpu.memref_squeeze %dma_wait3A_396 : memref<1x2x128x128xf32, #tpu.memory_space<vmem_shared>> -> memref<2x128x128xf32, #tpu.memory_space<vmem_shared>>
        %dma_wait3A_398 = arith.constant 0 : i32
        %dma_wait3A_399 = arith.constant 0 : i32
        %dma_wait3A_400 = tpu.memref_slice %dma_wait3A_397[%dma_wait3A_387, %dma_wait3A_398, %dma_wait3A_399] : memref<2x128x128xf32, #tpu.memory_space<vmem_shared>> -> memref<1x128x128xf32, #tpu.memory_space<vmem_shared>>
        %dma_wait3A_401 = tpu.memref_squeeze %dma_wait3A_400 : memref<1x128x128xf32, #tpu.memory_space<vmem_shared>> -> memref<128x128xf32, #tpu.memory_space<vmem_shared>>
        %dma_wait3A_402 = tpu.memref_slice %arg9[%dma_wait3A_388] : memref<4x!tpu.dma_semaphore, #tpu.memory_space<semaphore_mem>> -> memref<1x!tpu.dma_semaphore, #tpu.memory_space<semaphore_mem>>
        %dma_wait3A_403 = tpu.memref_squeeze %dma_wait3A_402 : memref<1x!tpu.dma_semaphore, #tpu.memory_space<semaphore_mem>> -> memref<!tpu.dma_semaphore, #tpu.memory_space<semaphore_mem>>
        %dma_wait3A_404 = arith.constant 0 : i32
        %dma_wait3A_405 = arith.constant 0 : i32
        %dma_wait3A_406 = arith.constant 0 : i32
        %dma_wait3A_407 = tpu.memref_slice %arg7[%arg1, %dma_wait3A_404, %dma_wait3A_405, %dma_wait3A_406] : memref<16x2x128x128xf32, #tpu.memory_space<vmem_shared>> -> memref<1x2x128x128xf32, #tpu.memory_space<vmem_shared>>
        %dma_wait3A_408 = tpu.memref_squeeze %dma_wait3A_407 : memref<1x2x128x128xf32, #tpu.memory_space<vmem_shared>> -> memref<2x128x128xf32, #tpu.memory_space<vmem_shared>>
        %dma_wait3A_409 = arith.constant 0 : i32
        %dma_wait3A_410 = arith.constant 0 : i32
        %dma_wait3A_411 = tpu.memref_slice %dma_wait3A_408[%dma_wait3A_387, %dma_wait3A_409, %dma_wait3A_410] : memref<2x128x128xf32, #tpu.memory_space<vmem_shared>> -> memref<1x128x128xf32, #tpu.memory_space<vmem_shared>>
        %dma_wait3A_412 = tpu.memref_squeeze %dma_wait3A_411 : memref<1x128x128xf32, #tpu.memory_space<vmem_shared>> -> memref<128x128xf32, #tpu.memory_space<vmem_shared>>
        %dma_wait3A_413 = arith.constant 0 : i32
        %dma_wait3A_414 = arith.constant 0 : i32
        %dma_wait3A_415 = tpu.memref_slice %arg6[%dma_wait3A_386, %dma_wait3A_413, %dma_wait3A_414] : memref<4x128x128xf32, #tpu.memory_space<vmem>> -> memref<1x128x128xf32, #tpu.memory_space<vmem>>
        %dma_wait3A_416 = tpu.memref_squeeze %dma_wait3A_415 : memref<1x128x128xf32, #tpu.memory_space<vmem>> -> memref<128x128xf32, #tpu.memory_space<vmem>>
        tpu.wait_dma2 semaphore(%dma_wait3A_403 : memref<!tpu.dma_semaphore, #tpu.memory_space<semaphore_mem>>) src(%dma_wait3A_416 : memref<128x128xf32, #tpu.memory_space<vmem>>) dst(%dma_wait3A_412 : memref<128x128xf32, #tpu.memory_space<vmem_shared>>)
        %sub3A = arith.constant 1 : i32
        %sub3A_417 = arith.subi %add3A_254, %sub3A : i32
        %mul3A_418 = arith.constant 128 : i32
        %mul3A_419 = arith.muli %sub3A_417, %mul3A_418 : i32
        %add3A_420 = arith.addi %mul3A_2, %mul3A_419 : i32
        %dma_start3A_421 = arith.constant 1 : i32
        %dma_start3A_422 = arith.constant 1 : i32
        %dma_start3A_423 = tpu.memref_slice %arg10[%dma_start3A_422] : memref<4x!tpu.dma_semaphore, #tpu.memory_space<semaphore_mem>> -> memref<1x!tpu.dma_semaphore, #tpu.memory_space<semaphore_mem>>
        %dma_start3A_424 = tpu.memref_squeeze %dma_start3A_423 : memref<1x!tpu.dma_semaphore, #tpu.memory_space<semaphore_mem>> -> memref<!tpu.dma_semaphore, #tpu.memory_space<semaphore_mem>>
        %dma_start3A_425 = arith.constant 0 : i32
        %dma_start3A_426 = tpu.memref_slice %arg4[%add3A_420, %dma_start3A_425] : memref<819200x128xf32, #tpu.memory_space<hbm>> -> memref<128x128xf32, #tpu.memory_space<hbm>>
        %dma_start3A_427 = arith.constant 0 : i32
        %dma_start3A_428 = arith.constant 0 : i32
        %dma_start3A_429 = arith.constant 0 : i32
        %dma_start3A_430 = tpu.memref_slice %arg7[%arg1, %dma_start3A_427, %dma_start3A_428, %dma_start3A_429] : memref<16x2x128x128xf32, #tpu.memory_space<vmem_shared>> -> memref<1x2x128x128xf32, #tpu.memory_space<vmem_shared>>
        %dma_start3A_431 = tpu.memref_squeeze %dma_start3A_430 : memref<1x2x128x128xf32, #tpu.memory_space<vmem_shared>> -> memref<2x128x128xf32, #tpu.memory_space<vmem_shared>>
        %dma_start3A_432 = arith.constant 0 : i32
        %dma_start3A_433 = arith.constant 0 : i32
        %dma_start3A_434 = tpu.memref_slice %dma_start3A_431[%dma_start3A_421, %dma_start3A_432, %dma_start3A_433] : memref<2x128x128xf32, #tpu.memory_space<vmem_shared>> -> memref<1x128x128xf32, #tpu.memory_space<vmem_shared>>
        %dma_start3A_435 = tpu.memref_squeeze %dma_start3A_434 : memref<1x128x128xf32, #tpu.memory_space<vmem_shared>> -> memref<128x128xf32, #tpu.memory_space<vmem_shared>>
        tpu.enqueue_dma source(%dma_start3A_435 : memref<128x128xf32, #tpu.memory_space<vmem_shared>>) target(%dma_start3A_426 : memref<128x128xf32, #tpu.memory_space<hbm>>) target_semaphore(%dma_start3A_424 : memref<!tpu.dma_semaphore, #tpu.memory_space<semaphore_mem>>)
      } else {
      }
      %dma_wait3A_267 = arith.constant 0 : i32
      %dma_wait3A_268 = arith.constant 2 : i32
      %dma_wait3A_269 = arith.constant 2 : i32
      %dma_wait3A_270 = arith.constant 0 : i32
      %dma_wait3A_271 = arith.constant 0 : i32
      %dma_wait3A_272 = tpu.memref_slice %arg6[%dma_wait3A_268, %dma_wait3A_270, %dma_wait3A_271] : memref<4x128x128xf32, #tpu.memory_space<vmem>> -> memref<1x128x128xf32, #tpu.memory_space<vmem>>
      %dma_wait3A_273 = tpu.memref_squeeze %dma_wait3A_272 : memref<1x128x128xf32, #tpu.memory_space<vmem>> -> memref<128x128xf32, #tpu.memory_space<vmem>>
      %dma_wait3A_274 = arith.constant 0 : i32
      %dma_wait3A_275 = tpu.memref_slice %arg5[%dma_wait3A_267, %dma_wait3A_274] : memref<200x128xi32, #tpu.memory_space<vmem>> -> memref<1x128xi32, #tpu.memory_space<vmem>>
      %dma_wait3A_276 = tpu.memref_squeeze %dma_wait3A_275 : memref<1x128xi32, #tpu.memory_space<vmem>> -> memref<128xi32, #tpu.memory_space<vmem>>
      %dma_wait3A_277 = arith.constant 0 : i32
      %dma_wait3A_278 = arith.constant 0 : i32
      %dma_wait3A_279 = tpu.memref_slice %arg2[%dma_wait3A_277, %dma_wait3A_278] : memref<100000x128xf32, #tpu.memory_space<hbm>> -> memref<100000x128xf32, #tpu.memory_space<hbm>>
      %dma_wait3A_280 = tpu.memref_slice %arg8[%dma_wait3A_269] : memref<4x!tpu.dma_semaphore, #tpu.memory_space<semaphore_mem>> -> memref<1x!tpu.dma_semaphore, #tpu.memory_space<semaphore_mem>>
      %dma_wait3A_281 = tpu.memref_squeeze %dma_wait3A_280 : memref<1x!tpu.dma_semaphore, #tpu.memory_space<semaphore_mem>> -> memref<!tpu.dma_semaphore, #tpu.memory_space<semaphore_mem>>
      tpu.wait_indirect_dma semaphore(%dma_wait3A_281 : memref<!tpu.dma_semaphore, #tpu.memory_space<semaphore_mem>>) src(%dma_wait3A_279 : memref<100000x128xf32, #tpu.memory_space<hbm>>) dst(%dma_wait3A_273 : memref<128x128xf32, #tpu.memory_space<vmem>>)
      %ge3A_282 = arith.constant 2 : i32
      %ge3A_283 = arith.cmpi sge, %add3A_254, %ge3A_282 : i32
      %convert_element_type3A_284 = arith.extui %ge3A_283 : i1 to i32
      %cond3A_285 = arith.constant 0 : i32
      %cond3A_286 = arith.cmpi ne, %convert_element_type3A_284, %cond3A_285 : i32
      scf.if %cond3A_286 {
        %add3A_386 = arith.constant 0 : i32
        %add3A_387 = arith.addi %mul3A_2, %add3A_386 : i32
        %dma_wait3A_388 = arith.constant 0 : i32
        %dma_wait3A_389 = arith.constant 0 : i32
        %dma_wait3A_390 = tpu.memref_slice %arg10[%dma_wait3A_389] : memref<4x!tpu.dma_semaphore, #tpu.memory_space<semaphore_mem>> -> memref<1x!tpu.dma_semaphore, #tpu.memory_space<semaphore_mem>>
        %dma_wait3A_391 = tpu.memref_squeeze %dma_wait3A_390 : memref<1x!tpu.dma_semaphore, #tpu.memory_space<semaphore_mem>> -> memref<!tpu.dma_semaphore, #tpu.memory_space<semaphore_mem>>
        %dma_wait3A_392 = arith.constant 0 : i32
        %dma_wait3A_393 = tpu.memref_slice %arg4[%add3A_387, %dma_wait3A_392] : memref<819200x128xf32, #tpu.memory_space<hbm>> -> memref<128x128xf32, #tpu.memory_space<hbm>>
        %dma_wait3A_394 = arith.constant 0 : i32
        %dma_wait3A_395 = arith.constant 0 : i32
        %dma_wait3A_396 = arith.constant 0 : i32
        %dma_wait3A_397 = tpu.memref_slice %arg7[%arg1, %dma_wait3A_394, %dma_wait3A_395, %dma_wait3A_396] : memref<16x2x128x128xf32, #tpu.memory_space<vmem_shared>> -> memref<1x2x128x128xf32, #tpu.memory_space<vmem_shared>>
        %dma_wait3A_398 = tpu.memref_squeeze %dma_wait3A_397 : memref<1x2x128x128xf32, #tpu.memory_space<vmem_shared>> -> memref<2x128x128xf32, #tpu.memory_space<vmem_shared>>
        %dma_wait3A_399 = arith.constant 0 : i32
        %dma_wait3A_400 = arith.constant 0 : i32
        %dma_wait3A_401 = tpu.memref_slice %dma_wait3A_398[%dma_wait3A_388, %dma_wait3A_399, %dma_wait3A_400] : memref<2x128x128xf32, #tpu.memory_space<vmem_shared>> -> memref<1x128x128xf32, #tpu.memory_space<vmem_shared>>
        %dma_wait3A_402 = tpu.memref_squeeze %dma_wait3A_401 : memref<1x128x128xf32, #tpu.memory_space<vmem_shared>> -> memref<128x128xf32, #tpu.memory_space<vmem_shared>>
        tpu.wait_dma2 semaphore(%dma_wait3A_391 : memref<!tpu.dma_semaphore, #tpu.memory_space<semaphore_mem>>) src(%dma_wait3A_402 : memref<128x128xf32, #tpu.memory_space<vmem_shared>>) dst(%dma_wait3A_393 : memref<128x128xf32, #tpu.memory_space<hbm>>)
      } else {
      }
      %dma_start3A_287 = arith.constant 2 : i32
      %dma_start3A_288 = arith.constant 0 : i32
      %dma_start3A_289 = arith.constant 2 : i32
      %dma_start3A_290 = arith.constant 0 : i32
      %dma_start3A_291 = arith.constant 0 : i32
      %dma_start3A_292 = tpu.memref_slice %arg6[%dma_start3A_287, %dma_start3A_290, %dma_start3A_291] : memref<4x128x128xf32, #tpu.memory_space<vmem>> -> memref<1x128x128xf32, #tpu.memory_space<vmem>>
      %dma_start3A_293 = tpu.memref_squeeze %dma_start3A_292 : memref<1x128x128xf32, #tpu.memory_space<vmem>> -> memref<128x128xf32, #tpu.memory_space<vmem>>
      %dma_start3A_294 = arith.constant 0 : i32
      %dma_start3A_295 = arith.constant 0 : i32
      %dma_start3A_296 = arith.constant 0 : i32
      %dma_start3A_297 = tpu.memref_slice %arg7[%arg1, %dma_start3A_294, %dma_start3A_295, %dma_start3A_296] : memref<16x2x128x128xf32, #tpu.memory_space<vmem_shared>> -> memref<1x2x128x128xf32, #tpu.memory_space<vmem_shared>>
      %dma_start3A_298 = tpu.memref_squeeze %dma_start3A_297 : memref<1x2x128x128xf32, #tpu.memory_space<vmem_shared>> -> memref<2x128x128xf32, #tpu.memory_space<vmem_shared>>
      %dma_start3A_299 = arith.constant 0 : i32
      %dma_start3A_300 = arith.constant 0 : i32
      %dma_start3A_301 = tpu.memref_slice %dma_start3A_298[%dma_start3A_288, %dma_start3A_299, %dma_start3A_300] : memref<2x128x128xf32, #tpu.memory_space<vmem_shared>> -> memref<1x128x128xf32, #tpu.memory_space<vmem_shared>>
      %dma_start3A_302 = tpu.memref_squeeze %dma_start3A_301 : memref<1x128x128xf32, #tpu.memory_space<vmem_shared>> -> memref<128x128xf32, #tpu.memory_space<vmem_shared>>
      %dma_start3A_303 = tpu.memref_slice %arg9[%dma_start3A_289] : memref<4x!tpu.dma_semaphore, #tpu.memory_space<semaphore_mem>> -> memref<1x!tpu.dma_semaphore, #tpu.memory_space<semaphore_mem>>
      %dma_start3A_304 = tpu.memref_squeeze %dma_start3A_303 : memref<1x!tpu.dma_semaphore, #tpu.memory_space<semaphore_mem>> -> memref<!tpu.dma_semaphore, #tpu.memory_space<semaphore_mem>>
      %dma_start3A_305 = arith.constant 0 : i32
      %dma_start3A_306 = arith.constant 0 : i32
      %dma_start3A_307 = arith.constant 0 : i32
      %dma_start3A_308 = tpu.memref_slice %arg7[%arg1, %dma_start3A_305, %dma_start3A_306, %dma_start3A_307] : memref<16x2x128x128xf32, #tpu.memory_space<vmem_shared>> -> memref<1x2x128x128xf32, #tpu.memory_space<vmem_shared>>
      %dma_start3A_309 = tpu.memref_squeeze %dma_start3A_308 : memref<1x2x128x128xf32, #tpu.memory_space<vmem_shared>> -> memref<2x128x128xf32, #tpu.memory_space<vmem_shared>>
      %dma_start3A_310 = arith.constant 0 : i32
      %dma_start3A_311 = arith.constant 0 : i32
      %dma_start3A_312 = tpu.memref_slice %dma_start3A_309[%dma_start3A_288, %dma_start3A_310, %dma_start3A_311] : memref<2x128x128xf32, #tpu.memory_space<vmem_shared>> -> memref<1x128x128xf32, #tpu.memory_space<vmem_shared>>
      %dma_start3A_313 = tpu.memref_squeeze %dma_start3A_312 : memref<1x128x128xf32, #tpu.memory_space<vmem_shared>> -> memref<128x128xf32, #tpu.memory_space<vmem_shared>>
      %dma_start3A_314 = arith.constant 0 : i32
      %dma_start3A_315 = arith.constant 0 : i32
      %dma_start3A_316 = tpu.memref_slice %arg6[%dma_start3A_287, %dma_start3A_314, %dma_start3A_315] : memref<4x128x128xf32, #tpu.memory_space<vmem>> -> memref<1x128x128xf32, #tpu.memory_space<vmem>>
      %dma_start3A_317 = tpu.memref_squeeze %dma_start3A_316 : memref<1x128x128xf32, #tpu.memory_space<vmem>> -> memref<128x128xf32, #tpu.memory_space<vmem>>
      tpu.enqueue_dma source(%dma_start3A_317 : memref<128x128xf32, #tpu.memory_space<vmem>>) target(%dma_start3A_313 : memref<128x128xf32, #tpu.memory_space<vmem_shared>>) target_semaphore(%dma_start3A_304 : memref<!tpu.dma_semaphore, #tpu.memory_space<semaphore_mem>>)
      %mul3A_318 = arith.constant 4 : i32
      %mul3A_319 = arith.muli %mul3A_318, %scan3A_119 : i32
      %add3A_320 = arith.constant 3 : i32
      %add3A_321 = arith.addi %mul3A_319, %add3A_320 : i32
      %add3A_322 = arith.constant 2 : i32
      %add3A_323 = arith.addi %add3A_321, %add3A_322 : i32
      %lt3A_324 = arith.constant 200 : i32
      %lt3A_325 = arith.cmpi slt, %add3A_323, %lt3A_324 : i32
      %convert_element_type3A_326 = arith.extui %lt3A_325 : i1 to i32
      %cond3A_327 = arith.constant 0 : i32
      %cond3A_328 = arith.cmpi ne, %convert_element_type3A_326, %cond3A_327 : i32
      scf.if %cond3A_328 {
        %add3A_386 = arith.constant 2 : i32
        %add3A_387 = arith.addi %add3A_321, %add3A_386 : i32
        %dma_start3A_388 = arith.constant 1 : i32
        %dma_start3A_389 = arith.constant 1 : i32
        %dma_start3A_390 = arith.constant 0 : i32
        %dma_start3A_391 = arith.constant 0 : i32
        %dma_start3A_392 = tpu.memref_slice %arg6[%dma_start3A_388, %dma_start3A_390, %dma_start3A_391] : memref<4x128x128xf32, #tpu.memory_space<vmem>> -> memref<1x128x128xf32, #tpu.memory_space<vmem>>
        %dma_start3A_393 = tpu.memref_squeeze %dma_start3A_392 : memref<1x128x128xf32, #tpu.memory_space<vmem>> -> memref<128x128xf32, #tpu.memory_space<vmem>>
        %dma_start3A_394 = arith.constant 0 : i32
        %dma_start3A_395 = tpu.memref_slice %arg5[%add3A_387, %dma_start3A_394] : memref<200x128xi32, #tpu.memory_space<vmem>> -> memref<1x128xi32, #tpu.memory_space<vmem>>
        %dma_start3A_396 = tpu.memref_squeeze %dma_start3A_395 : memref<1x128xi32, #tpu.memory_space<vmem>> -> memref<128xi32, #tpu.memory_space<vmem>>
        %dma_start3A_397 = arith.constant 0 : i32
        %dma_start3A_398 = arith.constant 0 : i32
        %dma_start3A_399 = tpu.memref_slice %arg2[%dma_start3A_397, %dma_start3A_398] : memref<100000x128xf32, #tpu.memory_space<hbm>> -> memref<100000x128xf32, #tpu.memory_space<hbm>>
        %dma_start3A_400 = tpu.memref_slice %arg8[%dma_start3A_389] : memref<4x!tpu.dma_semaphore, #tpu.memory_space<semaphore_mem>> -> memref<1x!tpu.dma_semaphore, #tpu.memory_space<semaphore_mem>>
        %dma_start3A_401 = tpu.memref_squeeze %dma_start3A_400 : memref<1x!tpu.dma_semaphore, #tpu.memory_space<semaphore_mem>> -> memref<!tpu.dma_semaphore, #tpu.memory_space<semaphore_mem>>
        tpu.enqueue_indirect_dma source(%dma_start3A_399 : memref<100000x128xf32, #tpu.memory_space<hbm>>) target(%dma_start3A_393 : memref<128x128xf32, #tpu.memory_space<vmem>>) offsets(%dma_start3A_396 : memref<128xi32, #tpu.memory_space<vmem>>) semaphore(%dma_start3A_401 : memref<!tpu.dma_semaphore, #tpu.memory_space<semaphore_mem>>)
      } else {
      }
      %ge3A_329 = arith.constant 1 : i32
      %ge3A_330 = arith.cmpi sge, %add3A_321, %ge3A_329 : i32
      %convert_element_type3A_331 = arith.extui %ge3A_330 : i1 to i32
      %cond3A_332 = arith.constant 0 : i32
      %cond3A_333 = arith.cmpi ne, %convert_element_type3A_331, %cond3A_332 : i32
      scf.if %cond3A_333 {
        %dma_wait3A_386 = arith.constant 2 : i32
        %dma_wait3A_387 = arith.constant 0 : i32
        %dma_wait3A_388 = arith.constant 2 : i32
        %dma_wait3A_389 = arith.constant 0 : i32
        %dma_wait3A_390 = arith.constant 0 : i32
        %dma_wait3A_391 = tpu.memref_slice %arg6[%dma_wait3A_386, %dma_wait3A_389, %dma_wait3A_390] : memref<4x128x128xf32, #tpu.memory_space<vmem>> -> memref<1x128x128xf32, #tpu.memory_space<vmem>>
        %dma_wait3A_392 = tpu.memref_squeeze %dma_wait3A_391 : memref<1x128x128xf32, #tpu.memory_space<vmem>> -> memref<128x128xf32, #tpu.memory_space<vmem>>
        %dma_wait3A_393 = arith.constant 0 : i32
        %dma_wait3A_394 = arith.constant 0 : i32
        %dma_wait3A_395 = arith.constant 0 : i32
        %dma_wait3A_396 = tpu.memref_slice %arg7[%arg1, %dma_wait3A_393, %dma_wait3A_394, %dma_wait3A_395] : memref<16x2x128x128xf32, #tpu.memory_space<vmem_shared>> -> memref<1x2x128x128xf32, #tpu.memory_space<vmem_shared>>
        %dma_wait3A_397 = tpu.memref_squeeze %dma_wait3A_396 : memref<1x2x128x128xf32, #tpu.memory_space<vmem_shared>> -> memref<2x128x128xf32, #tpu.memory_space<vmem_shared>>
        %dma_wait3A_398 = arith.constant 0 : i32
        %dma_wait3A_399 = arith.constant 0 : i32
        %dma_wait3A_400 = tpu.memref_slice %dma_wait3A_397[%dma_wait3A_387, %dma_wait3A_398, %dma_wait3A_399] : memref<2x128x128xf32, #tpu.memory_space<vmem_shared>> -> memref<1x128x128xf32, #tpu.memory_space<vmem_shared>>
        %dma_wait3A_401 = tpu.memref_squeeze %dma_wait3A_400 : memref<1x128x128xf32, #tpu.memory_space<vmem_shared>> -> memref<128x128xf32, #tpu.memory_space<vmem_shared>>
        %dma_wait3A_402 = tpu.memref_slice %arg9[%dma_wait3A_388] : memref<4x!tpu.dma_semaphore, #tpu.memory_space<semaphore_mem>> -> memref<1x!tpu.dma_semaphore, #tpu.memory_space<semaphore_mem>>
        %dma_wait3A_403 = tpu.memref_squeeze %dma_wait3A_402 : memref<1x!tpu.dma_semaphore, #tpu.memory_space<semaphore_mem>> -> memref<!tpu.dma_semaphore, #tpu.memory_space<semaphore_mem>>
        %dma_wait3A_404 = arith.constant 0 : i32
        %dma_wait3A_405 = arith.constant 0 : i32
        %dma_wait3A_406 = arith.constant 0 : i32
        %dma_wait3A_407 = tpu.memref_slice %arg7[%arg1, %dma_wait3A_404, %dma_wait3A_405, %dma_wait3A_406] : memref<16x2x128x128xf32, #tpu.memory_space<vmem_shared>> -> memref<1x2x128x128xf32, #tpu.memory_space<vmem_shared>>
        %dma_wait3A_408 = tpu.memref_squeeze %dma_wait3A_407 : memref<1x2x128x128xf32, #tpu.memory_space<vmem_shared>> -> memref<2x128x128xf32, #tpu.memory_space<vmem_shared>>
        %dma_wait3A_409 = arith.constant 0 : i32
        %dma_wait3A_410 = arith.constant 0 : i32
        %dma_wait3A_411 = tpu.memref_slice %dma_wait3A_408[%dma_wait3A_387, %dma_wait3A_409, %dma_wait3A_410] : memref<2x128x128xf32, #tpu.memory_space<vmem_shared>> -> memref<1x128x128xf32, #tpu.memory_space<vmem_shared>>
        %dma_wait3A_412 = tpu.memref_squeeze %dma_wait3A_411 : memref<1x128x128xf32, #tpu.memory_space<vmem_shared>> -> memref<128x128xf32, #tpu.memory_space<vmem_shared>>
        %dma_wait3A_413 = arith.constant 0 : i32
        %dma_wait3A_414 = arith.constant 0 : i32
        %dma_wait3A_415 = tpu.memref_slice %arg6[%dma_wait3A_386, %dma_wait3A_413, %dma_wait3A_414] : memref<4x128x128xf32, #tpu.memory_space<vmem>> -> memref<1x128x128xf32, #tpu.memory_space<vmem>>
        %dma_wait3A_416 = tpu.memref_squeeze %dma_wait3A_415 : memref<1x128x128xf32, #tpu.memory_space<vmem>> -> memref<128x128xf32, #tpu.memory_space<vmem>>
        tpu.wait_dma2 semaphore(%dma_wait3A_403 : memref<!tpu.dma_semaphore, #tpu.memory_space<semaphore_mem>>) src(%dma_wait3A_416 : memref<128x128xf32, #tpu.memory_space<vmem>>) dst(%dma_wait3A_412 : memref<128x128xf32, #tpu.memory_space<vmem_shared>>)
        %sub3A = arith.constant 1 : i32
        %sub3A_417 = arith.subi %add3A_321, %sub3A : i32
        %mul3A_418 = arith.constant 128 : i32
        %mul3A_419 = arith.muli %sub3A_417, %mul3A_418 : i32
        %add3A_420 = arith.addi %mul3A_2, %mul3A_419 : i32
        %dma_start3A_421 = arith.constant 0 : i32
        %dma_start3A_422 = arith.constant 0 : i32
        %dma_start3A_423 = tpu.memref_slice %arg10[%dma_start3A_422] : memref<4x!tpu.dma_semaphore, #tpu.memory_space<semaphore_mem>> -> memref<1x!tpu.dma_semaphore, #tpu.memory_space<semaphore_mem>>
        %dma_start3A_424 = tpu.memref_squeeze %dma_start3A_423 : memref<1x!tpu.dma_semaphore, #tpu.memory_space<semaphore_mem>> -> memref<!tpu.dma_semaphore, #tpu.memory_space<semaphore_mem>>
        %dma_start3A_425 = arith.constant 0 : i32
        %dma_start3A_426 = tpu.memref_slice %arg4[%add3A_420, %dma_start3A_425] : memref<819200x128xf32, #tpu.memory_space<hbm>> -> memref<128x128xf32, #tpu.memory_space<hbm>>
        %dma_start3A_427 = arith.constant 0 : i32
        %dma_start3A_428 = arith.constant 0 : i32
        %dma_start3A_429 = arith.constant 0 : i32
        %dma_start3A_430 = tpu.memref_slice %arg7[%arg1, %dma_start3A_427, %dma_start3A_428, %dma_start3A_429] : memref<16x2x128x128xf32, #tpu.memory_space<vmem_shared>> -> memref<1x2x128x128xf32, #tpu.memory_space<vmem_shared>>
        %dma_start3A_431 = tpu.memref_squeeze %dma_start3A_430 : memref<1x2x128x128xf32, #tpu.memory_space<vmem_shared>> -> memref<2x128x128xf32, #tpu.memory_space<vmem_shared>>
        %dma_start3A_432 = arith.constant 0 : i32
        %dma_start3A_433 = arith.constant 0 : i32
        %dma_start3A_434 = tpu.memref_slice %dma_start3A_431[%dma_start3A_421, %dma_start3A_432, %dma_start3A_433] : memref<2x128x128xf32, #tpu.memory_space<vmem_shared>> -> memref<1x128x128xf32, #tpu.memory_space<vmem_shared>>
        %dma_start3A_435 = tpu.memref_squeeze %dma_start3A_434 : memref<1x128x128xf32, #tpu.memory_space<vmem_shared>> -> memref<128x128xf32, #tpu.memory_space<vmem_shared>>
        tpu.enqueue_dma source(%dma_start3A_435 : memref<128x128xf32, #tpu.memory_space<vmem_shared>>) target(%dma_start3A_426 : memref<128x128xf32, #tpu.memory_space<hbm>>) target_semaphore(%dma_start3A_424 : memref<!tpu.dma_semaphore, #tpu.memory_space<semaphore_mem>>)
      } else {
      }
      %dma_wait3A_334 = arith.constant 0 : i32
      %dma_wait3A_335 = arith.constant 3 : i32
      %dma_wait3A_336 = arith.constant 3 : i32
      %dma_wait3A_337 = arith.constant 0 : i32
      %dma_wait3A_338 = arith.constant 0 : i32
      %dma_wait3A_339 = tpu.memref_slice %arg6[%dma_wait3A_335, %dma_wait3A_337, %dma_wait3A_338] : memref<4x128x128xf32, #tpu.memory_space<vmem>> -> memref<1x128x128xf32, #tpu.memory_space<vmem>>
      %dma_wait3A_340 = tpu.memref_squeeze %dma_wait3A_339 : memref<1x128x128xf32, #tpu.memory_space<vmem>> -> memref<128x128xf32, #tpu.memory_space<vmem>>
      %dma_wait3A_341 = arith.constant 0 : i32
      %dma_wait3A_342 = tpu.memref_slice %arg5[%dma_wait3A_334, %dma_wait3A_341] : memref<200x128xi32, #tpu.memory_space<vmem>> -> memref<1x128xi32, #tpu.memory_space<vmem>>
      %dma_wait3A_343 = tpu.memref_squeeze %dma_wait3A_342 : memref<1x128xi32, #tpu.memory_space<vmem>> -> memref<128xi32, #tpu.memory_space<vmem>>
      %dma_wait3A_344 = arith.constant 0 : i32
      %dma_wait3A_345 = arith.constant 0 : i32
      %dma_wait3A_346 = tpu.memref_slice %arg2[%dma_wait3A_344, %dma_wait3A_345] : memref<100000x128xf32, #tpu.memory_space<hbm>> -> memref<100000x128xf32, #tpu.memory_space<hbm>>
      %dma_wait3A_347 = tpu.memref_slice %arg8[%dma_wait3A_336] : memref<4x!tpu.dma_semaphore, #tpu.memory_space<semaphore_mem>> -> memref<1x!tpu.dma_semaphore, #tpu.memory_space<semaphore_mem>>
      %dma_wait3A_348 = tpu.memref_squeeze %dma_wait3A_347 : memref<1x!tpu.dma_semaphore, #tpu.memory_space<semaphore_mem>> -> memref<!tpu.dma_semaphore, #tpu.memory_space<semaphore_mem>>
      tpu.wait_indirect_dma semaphore(%dma_wait3A_348 : memref<!tpu.dma_semaphore, #tpu.memory_space<semaphore_mem>>) src(%dma_wait3A_346 : memref<100000x128xf32, #tpu.memory_space<hbm>>) dst(%dma_wait3A_340 : memref<128x128xf32, #tpu.memory_space<vmem>>)
      %ge3A_349 = arith.constant 2 : i32
      %ge3A_350 = arith.cmpi sge, %add3A_321, %ge3A_349 : i32
      %convert_element_type3A_351 = arith.extui %ge3A_350 : i1 to i32
      %cond3A_352 = arith.constant 0 : i32
      %cond3A_353 = arith.cmpi ne, %convert_element_type3A_351, %cond3A_352 : i32
      scf.if %cond3A_353 {
        %add3A_386 = arith.constant 0 : i32
        %add3A_387 = arith.addi %mul3A_2, %add3A_386 : i32
        %dma_wait3A_388 = arith.constant 1 : i32
        %dma_wait3A_389 = arith.constant 1 : i32
        %dma_wait3A_390 = tpu.memref_slice %arg10[%dma_wait3A_389] : memref<4x!tpu.dma_semaphore, #tpu.memory_space<semaphore_mem>> -> memref<1x!tpu.dma_semaphore, #tpu.memory_space<semaphore_mem>>
        %dma_wait3A_391 = tpu.memref_squeeze %dma_wait3A_390 : memref<1x!tpu.dma_semaphore, #tpu.memory_space<semaphore_mem>> -> memref<!tpu.dma_semaphore, #tpu.memory_space<semaphore_mem>>
        %dma_wait3A_392 = arith.constant 0 : i32
        %dma_wait3A_393 = tpu.memref_slice %arg4[%add3A_387, %dma_wait3A_392] : memref<819200x128xf32, #tpu.memory_space<hbm>> -> memref<128x128xf32, #tpu.memory_space<hbm>>
        %dma_wait3A_394 = arith.constant 0 : i32
        %dma_wait3A_395 = arith.constant 0 : i32
        %dma_wait3A_396 = arith.constant 0 : i32
        %dma_wait3A_397 = tpu.memref_slice %arg7[%arg1, %dma_wait3A_394, %dma_wait3A_395, %dma_wait3A_396] : memref<16x2x128x128xf32, #tpu.memory_space<vmem_shared>> -> memref<1x2x128x128xf32, #tpu.memory_space<vmem_shared>>
        %dma_wait3A_398 = tpu.memref_squeeze %dma_wait3A_397 : memref<1x2x128x128xf32, #tpu.memory_space<vmem_shared>> -> memref<2x128x128xf32, #tpu.memory_space<vmem_shared>>
        %dma_wait3A_399 = arith.constant 0 : i32
        %dma_wait3A_400 = arith.constant 0 : i32
        %dma_wait3A_401 = tpu.memref_slice %dma_wait3A_398[%dma_wait3A_388, %dma_wait3A_399, %dma_wait3A_400] : memref<2x128x128xf32, #tpu.memory_space<vmem_shared>> -> memref<1x128x128xf32, #tpu.memory_space<vmem_shared>>
        %dma_wait3A_402 = tpu.memref_squeeze %dma_wait3A_401 : memref<1x128x128xf32, #tpu.memory_space<vmem_shared>> -> memref<128x128xf32, #tpu.memory_space<vmem_shared>>
        tpu.wait_dma2 semaphore(%dma_wait3A_391 : memref<!tpu.dma_semaphore, #tpu.memory_space<semaphore_mem>>) src(%dma_wait3A_402 : memref<128x128xf32, #tpu.memory_space<vmem_shared>>) dst(%dma_wait3A_393 : memref<128x128xf32, #tpu.memory_space<hbm>>)
      } else {
      }
      %dma_start3A_354 = arith.constant 3 : i32
      %dma_start3A_355 = arith.constant 1 : i32
      %dma_start3A_356 = arith.constant 3 : i32
      %dma_start3A_357 = arith.constant 0 : i32
      %dma_start3A_358 = arith.constant 0 : i32
      %dma_start3A_359 = tpu.memref_slice %arg6[%dma_start3A_354, %dma_start3A_357, %dma_start3A_358] : memref<4x128x128xf32, #tpu.memory_space<vmem>> -> memref<1x128x128xf32, #tpu.memory_space<vmem>>
      %dma_start3A_360 = tpu.memref_squeeze %dma_start3A_359 : memref<1x128x128xf32, #tpu.memory_space<vmem>> -> memref<128x128xf32, #tpu.memory_space<vmem>>
      %dma_start3A_361 = arith.constant 0 : i32
      %dma_start3A_362 = arith.constant 0 : i32
      %dma_start3A_363 = arith.constant 0 : i32
      %dma_start3A_364 = tpu.memref_slice %arg7[%arg1, %dma_start3A_361, %dma_start3A_362, %dma_start3A_363] : memref<16x2x128x128xf32, #tpu.memory_space<vmem_shared>> -> memref<1x2x128x128xf32, #tpu.memory_space<vmem_shared>>
      %dma_start3A_365 = tpu.memref_squeeze %dma_start3A_364 : memref<1x2x128x128xf32, #tpu.memory_space<vmem_shared>> -> memref<2x128x128xf32, #tpu.memory_space<vmem_shared>>
      %dma_start3A_366 = arith.constant 0 : i32
      %dma_start3A_367 = arith.constant 0 : i32
      %dma_start3A_368 = tpu.memref_slice %dma_start3A_365[%dma_start3A_355, %dma_start3A_366, %dma_start3A_367] : memref<2x128x128xf32, #tpu.memory_space<vmem_shared>> -> memref<1x128x128xf32, #tpu.memory_space<vmem_shared>>
      %dma_start3A_369 = tpu.memref_squeeze %dma_start3A_368 : memref<1x128x128xf32, #tpu.memory_space<vmem_shared>> -> memref<128x128xf32, #tpu.memory_space<vmem_shared>>
      %dma_start3A_370 = tpu.memref_slice %arg9[%dma_start3A_356] : memref<4x!tpu.dma_semaphore, #tpu.memory_space<semaphore_mem>> -> memref<1x!tpu.dma_semaphore, #tpu.memory_space<semaphore_mem>>
      %dma_start3A_371 = tpu.memref_squeeze %dma_start3A_370 : memref<1x!tpu.dma_semaphore, #tpu.memory_space<semaphore_mem>> -> memref<!tpu.dma_semaphore, #tpu.memory_space<semaphore_mem>>
      %dma_start3A_372 = arith.constant 0 : i32
      %dma_start3A_373 = arith.constant 0 : i32
      %dma_start3A_374 = arith.constant 0 : i32
      %dma_start3A_375 = tpu.memref_slice %arg7[%arg1, %dma_start3A_372, %dma_start3A_373, %dma_start3A_374] : memref<16x2x128x128xf32, #tpu.memory_space<vmem_shared>> -> memref<1x2x128x128xf32, #tpu.memory_space<vmem_shared>>
      %dma_start3A_376 = tpu.memref_squeeze %dma_start3A_375 : memref<1x2x128x128xf32, #tpu.memory_space<vmem_shared>> -> memref<2x128x128xf32, #tpu.memory_space<vmem_shared>>
      %dma_start3A_377 = arith.constant 0 : i32
      %dma_start3A_378 = arith.constant 0 : i32
      %dma_start3A_379 = tpu.memref_slice %dma_start3A_376[%dma_start3A_355, %dma_start3A_377, %dma_start3A_378] : memref<2x128x128xf32, #tpu.memory_space<vmem_shared>> -> memref<1x128x128xf32, #tpu.memory_space<vmem_shared>>
      %dma_start3A_380 = tpu.memref_squeeze %dma_start3A_379 : memref<1x128x128xf32, #tpu.memory_space<vmem_shared>> -> memref<128x128xf32, #tpu.memory_space<vmem_shared>>
      %dma_start3A_381 = arith.constant 0 : i32
      %dma_start3A_382 = arith.constant 0 : i32
      %dma_start3A_383 = tpu.memref_slice %arg6[%dma_start3A_354, %dma_start3A_381, %dma_start3A_382] : memref<4x128x128xf32, #tpu.memory_space<vmem>> -> memref<1x128x128xf32, #tpu.memory_space<vmem>>
      %dma_start3A_384 = tpu.memref_squeeze %dma_start3A_383 : memref<1x128x128xf32, #tpu.memory_space<vmem>> -> memref<128x128xf32, #tpu.memory_space<vmem>>
      tpu.enqueue_dma source(%dma_start3A_384 : memref<128x128xf32, #tpu.memory_space<vmem>>) target(%dma_start3A_380 : memref<128x128xf32, #tpu.memory_space<vmem_shared>>) target_semaphore(%dma_start3A_371 : memref<!tpu.dma_semaphore, #tpu.memory_space<semaphore_mem>>)
      %scan3A_385 = arith.constant 0 : i32
      scf.yield %scan3A_385 : i32
    }
    %scan3A_37 = arith.constant 50 : i32
    %dma_wait3A = arith.constant 3 : i32
    %dma_wait3A_38 = arith.constant 1 : i32
    %dma_wait3A_39 = arith.constant 3 : i32
    %dma_wait3A_40 = arith.constant 0 : i32
    %dma_wait3A_41 = arith.constant 0 : i32
    %dma_wait3A_42 = tpu.memref_slice %arg6[%dma_wait3A, %dma_wait3A_40, %dma_wait3A_41] : memref<4x128x128xf32, #tpu.memory_space<vmem>> -> memref<1x128x128xf32, #tpu.memory_space<vmem>>
    %dma_wait3A_43 = tpu.memref_squeeze %dma_wait3A_42 : memref<1x128x128xf32, #tpu.memory_space<vmem>> -> memref<128x128xf32, #tpu.memory_space<vmem>>
    %dma_wait3A_44 = arith.constant 0 : i32
    %dma_wait3A_45 = arith.constant 0 : i32
    %dma_wait3A_46 = arith.constant 0 : i32
    %dma_wait3A_47 = tpu.memref_slice %arg7[%arg1, %dma_wait3A_44, %dma_wait3A_45, %dma_wait3A_46] : memref<16x2x128x128xf32, #tpu.memory_space<vmem_shared>> -> memref<1x2x128x128xf32, #tpu.memory_space<vmem_shared>>
    %dma_wait3A_48 = tpu.memref_squeeze %dma_wait3A_47 : memref<1x2x128x128xf32, #tpu.memory_space<vmem_shared>> -> memref<2x128x128xf32, #tpu.memory_space<vmem_shared>>
    %dma_wait3A_49 = arith.constant 0 : i32
    %dma_wait3A_50 = arith.constant 0 : i32
    %dma_wait3A_51 = tpu.memref_slice %dma_wait3A_48[%dma_wait3A_38, %dma_wait3A_49, %dma_wait3A_50] : memref<2x128x128xf32, #tpu.memory_space<vmem_shared>> -> memref<1x128x128xf32, #tpu.memory_space<vmem_shared>>
    %dma_wait3A_52 = tpu.memref_squeeze %dma_wait3A_51 : memref<1x128x128xf32, #tpu.memory_space<vmem_shared>> -> memref<128x128xf32, #tpu.memory_space<vmem_shared>>
    %dma_wait3A_53 = tpu.memref_slice %arg9[%dma_wait3A_39] : memref<4x!tpu.dma_semaphore, #tpu.memory_space<semaphore_mem>> -> memref<1x!tpu.dma_semaphore, #tpu.memory_space<semaphore_mem>>
    %dma_wait3A_54 = tpu.memref_squeeze %dma_wait3A_53 : memref<1x!tpu.dma_semaphore, #tpu.memory_space<semaphore_mem>> -> memref<!tpu.dma_semaphore, #tpu.memory_space<semaphore_mem>>
    %dma_wait3A_55 = arith.constant 0 : i32
    %dma_wait3A_56 = arith.constant 0 : i32
    %dma_wait3A_57 = arith.constant 0 : i32
    %dma_wait3A_58 = tpu.memref_slice %arg7[%arg1, %dma_wait3A_55, %dma_wait3A_56, %dma_wait3A_57] : memref<16x2x128x128xf32, #tpu.memory_space<vmem_shared>> -> memref<1x2x128x128xf32, #tpu.memory_space<vmem_shared>>
    %dma_wait3A_59 = tpu.memref_squeeze %dma_wait3A_58 : memref<1x2x128x128xf32, #tpu.memory_space<vmem_shared>> -> memref<2x128x128xf32, #tpu.memory_space<vmem_shared>>
    %dma_wait3A_60 = arith.constant 0 : i32
    %dma_wait3A_61 = arith.constant 0 : i32
    %dma_wait3A_62 = tpu.memref_slice %dma_wait3A_59[%dma_wait3A_38, %dma_wait3A_60, %dma_wait3A_61] : memref<2x128x128xf32, #tpu.memory_space<vmem_shared>> -> memref<1x128x128xf32, #tpu.memory_space<vmem_shared>>
    %dma_wait3A_63 = tpu.memref_squeeze %dma_wait3A_62 : memref<1x128x128xf32, #tpu.memory_space<vmem_shared>> -> memref<128x128xf32, #tpu.memory_space<vmem_shared>>
    %dma_wait3A_64 = arith.constant 0 : i32
    %dma_wait3A_65 = arith.constant 0 : i32
    %dma_wait3A_66 = tpu.memref_slice %arg6[%dma_wait3A, %dma_wait3A_64, %dma_wait3A_65] : memref<4x128x128xf32, #tpu.memory_space<vmem>> -> memref<1x128x128xf32, #tpu.memory_space<vmem>>
    %dma_wait3A_67 = tpu.memref_squeeze %dma_wait3A_66 : memref<1x128x128xf32, #tpu.memory_space<vmem>> -> memref<128x128xf32, #tpu.memory_space<vmem>>
    tpu.wait_dma2 semaphore(%dma_wait3A_54 : memref<!tpu.dma_semaphore, #tpu.memory_space<semaphore_mem>>) src(%dma_wait3A_67 : memref<128x128xf32, #tpu.memory_space<vmem>>) dst(%dma_wait3A_63 : memref<128x128xf32, #tpu.memory_space<vmem_shared>>)
    %add3A_68 = arith.constant 25472 : i32
    %add3A_69 = arith.addi %mul3A_2, %add3A_68 : i32
    %dma_start3A_70 = arith.constant 1 : i32
    %dma_start3A_71 = arith.constant 1 : i32
    %dma_start3A_72 = tpu.memref_slice %arg10[%dma_start3A_71] : memref<4x!tpu.dma_semaphore, #tpu.memory_space<semaphore_mem>> -> memref<1x!tpu.dma_semaphore, #tpu.memory_space<semaphore_mem>>
    %dma_start3A_73 = tpu.memref_squeeze %dma_start3A_72 : memref<1x!tpu.dma_semaphore, #tpu.memory_space<semaphore_mem>> -> memref<!tpu.dma_semaphore, #tpu.memory_space<semaphore_mem>>
    %dma_start3A_74 = arith.constant 0 : i32
    %dma_start3A_75 = tpu.memref_slice %arg4[%add3A_69, %dma_start3A_74] : memref<819200x128xf32, #tpu.memory_space<hbm>> -> memref<128x128xf32, #tpu.memory_space<hbm>>
    %dma_start3A_76 = arith.constant 0 : i32
    %dma_start3A_77 = arith.constant 0 : i32
    %dma_start3A_78 = arith.constant 0 : i32
    %dma_start3A_79 = tpu.memref_slice %arg7[%arg1, %dma_start3A_76, %dma_start3A_77, %dma_start3A_78] : memref<16x2x128x128xf32, #tpu.memory_space<vmem_shared>> -> memref<1x2x128x128xf32, #tpu.memory_space<vmem_shared>>
    %dma_start3A_80 = tpu.memref_squeeze %dma_start3A_79 : memref<1x2x128x128xf32, #tpu.memory_space<vmem_shared>> -> memref<2x128x128xf32, #tpu.memory_space<vmem_shared>>
    %dma_start3A_81 = arith.constant 0 : i32
    %dma_start3A_82 = arith.constant 0 : i32
    %dma_start3A_83 = tpu.memref_slice %dma_start3A_80[%dma_start3A_70, %dma_start3A_81, %dma_start3A_82] : memref<2x128x128xf32, #tpu.memory_space<vmem_shared>> -> memref<1x128x128xf32, #tpu.memory_space<vmem_shared>>
    %dma_start3A_84 = tpu.memref_squeeze %dma_start3A_83 : memref<1x128x128xf32, #tpu.memory_space<vmem_shared>> -> memref<128x128xf32, #tpu.memory_space<vmem_shared>>
    tpu.enqueue_dma source(%dma_start3A_84 : memref<128x128xf32, #tpu.memory_space<vmem_shared>>) target(%dma_start3A_75 : memref<128x128xf32, #tpu.memory_space<hbm>>) target_semaphore(%dma_start3A_73 : memref<!tpu.dma_semaphore, #tpu.memory_space<semaphore_mem>>)
    %add3A_85 = arith.constant 0 : i32
    %add3A_86 = arith.addi %mul3A_2, %add3A_85 : i32
    %dma_wait3A_87 = arith.constant 1 : i32
    %dma_wait3A_88 = arith.constant 1 : i32
    %dma_wait3A_89 = tpu.memref_slice %arg10[%dma_wait3A_88] : memref<4x!tpu.dma_semaphore, #tpu.memory_space<semaphore_mem>> -> memref<1x!tpu.dma_semaphore, #tpu.memory_space<semaphore_mem>>
    %dma_wait3A_90 = tpu.memref_squeeze %dma_wait3A_89 : memref<1x!tpu.dma_semaphore, #tpu.memory_space<semaphore_mem>> -> memref<!tpu.dma_semaphore, #tpu.memory_space<semaphore_mem>>
    %dma_wait3A_91 = arith.constant 0 : i32
    %dma_wait3A_92 = tpu.memref_slice %arg4[%add3A_86, %dma_wait3A_91] : memref<819200x128xf32, #tpu.memory_space<hbm>> -> memref<128x128xf32, #tpu.memory_space<hbm>>
    %dma_wait3A_93 = arith.constant 0 : i32
    %dma_wait3A_94 = arith.constant 0 : i32
    %dma_wait3A_95 = arith.constant 0 : i32
    %dma_wait3A_96 = tpu.memref_slice %arg7[%arg1, %dma_wait3A_93, %dma_wait3A_94, %dma_wait3A_95] : memref<16x2x128x128xf32, #tpu.memory_space<vmem_shared>> -> memref<1x2x128x128xf32, #tpu.memory_space<vmem_shared>>
    %dma_wait3A_97 = tpu.memref_squeeze %dma_wait3A_96 : memref<1x2x128x128xf32, #tpu.memory_space<vmem_shared>> -> memref<2x128x128xf32, #tpu.memory_space<vmem_shared>>
    %dma_wait3A_98 = arith.constant 0 : i32
    %dma_wait3A_99 = arith.constant 0 : i32
    %dma_wait3A_100 = tpu.memref_slice %dma_wait3A_97[%dma_wait3A_87, %dma_wait3A_98, %dma_wait3A_99] : memref<2x128x128xf32, #tpu.memory_space<vmem_shared>> -> memref<1x128x128xf32, #tpu.memory_space<vmem_shared>>
    %dma_wait3A_101 = tpu.memref_squeeze %dma_wait3A_100 : memref<1x128x128xf32, #tpu.memory_space<vmem_shared>> -> memref<128x128xf32, #tpu.memory_space<vmem_shared>>
    tpu.wait_dma2 semaphore(%dma_wait3A_90 : memref<!tpu.dma_semaphore, #tpu.memory_space<semaphore_mem>>) src(%dma_wait3A_101 : memref<128x128xf32, #tpu.memory_space<vmem_shared>>) dst(%dma_wait3A_92 : memref<128x128xf32, #tpu.memory_space<hbm>>)
    %add3A_102 = arith.constant 0 : i32
    %add3A_103 = arith.addi %mul3A_2, %add3A_102 : i32
    %dma_wait3A_104 = arith.constant 0 : i32
    %dma_wait3A_105 = arith.constant 0 : i32
    %dma_wait3A_106 = tpu.memref_slice %arg10[%dma_wait3A_105] : memref<4x!tpu.dma_semaphore, #tpu.memory_space<semaphore_mem>> -> memref<1x!tpu.dma_semaphore, #tpu.memory_space<semaphore_mem>>
    %dma_wait3A_107 = tpu.memref_squeeze %dma_wait3A_106 : memref<1x!tpu.dma_semaphore, #tpu.memory_space<semaphore_mem>> -> memref<!tpu.dma_semaphore, #tpu.memory_space<semaphore_mem>>
    %dma_wait3A_108 = arith.constant 0 : i32
    %dma_wait3A_109 = tpu.memref_slice %arg4[%add3A_103, %dma_wait3A_108] : memref<819200x128xf32, #tpu.memory_space<hbm>> -> memref<128x128xf32, #tpu.memory_space<hbm>>
    %dma_wait3A_110 = arith.constant 0 : i32
    %dma_wait3A_111 = arith.constant 0 : i32
    %dma_wait3A_112 = arith.constant 0 : i32
    %dma_wait3A_113 = tpu.memref_slice %arg7[%arg1, %dma_wait3A_110, %dma_wait3A_111, %dma_wait3A_112] : memref<16x2x128x128xf32, #tpu.memory_space<vmem_shared>> -> memref<1x2x128x128xf32, #tpu.memory_space<vmem_shared>>
    %dma_wait3A_114 = tpu.memref_squeeze %dma_wait3A_113 : memref<1x2x128x128xf32, #tpu.memory_space<vmem_shared>> -> memref<2x128x128xf32, #tpu.memory_space<vmem_shared>>
    %dma_wait3A_115 = arith.constant 0 : i32
    %dma_wait3A_116 = arith.constant 0 : i32
    %dma_wait3A_117 = tpu.memref_slice %dma_wait3A_114[%dma_wait3A_104, %dma_wait3A_115, %dma_wait3A_116] : memref<2x128x128xf32, #tpu.memory_space<vmem_shared>> -> memref<1x128x128xf32, #tpu.memory_space<vmem_shared>>
    %dma_wait3A_118 = tpu.memref_squeeze %dma_wait3A_117 : memref<1x128x128xf32, #tpu.memory_space<vmem_shared>> -> memref<128x128xf32, #tpu.memory_space<vmem_shared>>
    tpu.wait_dma2 semaphore(%dma_wait3A_107 : memref<!tpu.dma_semaphore, #tpu.memory_space<semaphore_mem>>) src(%dma_wait3A_118 : memref<128x128xf32, #tpu.memory_space<vmem_shared>>) dst(%dma_wait3A_109 : memref<128x128xf32, #tpu.memory_space<hbm>>)
    return
  }
}

</mosaic_0001>

<sc_bundles>
// kernel: kernel.3.cloned.1.call-start
scs
__scs_entry_jumppad:
0x0: {  	(pc) =	sbr.rel $0x88, $3  }
0x1: {  	(tag) =	ssettag $0x0;
	lr =	simm.s32 $0x1  }
0x2: {  	[smem:$0x3F9F] =	sst lr;
	_ =	strace $0xD0000000  }
0x3: {  	_ = 	snop  }
0x4: {  	_ = 	snop  }
0x5: {  	_ = 	snop  }
0x6: {  	_ = 	snop  }
0x7: {  	_ = 	snop  }
__scs_overlays_trampoline_lowered:
0x8: {  	[smem:$0x3FAE] =	sst s0  }
0x9: {  	[smem:$0x3FAF] =	sst s1  }
0xa: {  	[smem:$0x3FB0] =	sst s2  }
0xb: {  	[smem:$0x3FB1] =	sst s3  }
0xc: {  	[smem:$0x3FB2] =	sst s4  }
0xd: {  	[smem:$0x3FB3] =	sst s5  }
0xe: {  	[smem:$0x3FB4] =	sst s6  }
0xf: {  	[smem:$0x3FB5] =	sst s7  }
0x10: {  	[smem:$0x3FB6] =	sst s8  }
0x11: {  	[smem:$0x3FB7] =	sst s9;
	s0 =	simm.s32 @!p0 $0x0  }
0x12: {  	s1 =	sld [smem:$0x3F9D];
	s0 =	simm.s32 @p0 $0x1  }
0x13: {  	[smem:$0x3FB8] =	sst s0;
	s0 =	simm.s32 @!p1 $0x0  }
0x14: {  	s2 =	sld [smem:$0x3F9C];
	s0 =	simm.s32 @p1 $0x1  }
0x15: {  	[smem:$0x3FB9] =	sst s0;
	s0 =	simm.s32 @!p2 $0x0  }
0x16: {  	s3 =	sld [smem:$0x3FDB];
	s0 =	simm.s32 @p2 $0x1  }
0x17: {  	s4 =	simm.s32 $0x1BF5;
	[smem:$0x3FBB] =	sst s0  }
0x18: {  	s0 =	sld [smem:$0x3F9E];
	_ =	swait.ge [sflag:s4], $0x0  }
0x19: {  	s7 =	sld [smem:$0x3F9F]  }
0x1a: {  	s8 =	sadd.s32 $0xFFFFE003, lr  }
0x1b: {  	s9 =	sadd.s32 $0xFFFFFEF7, lr;
	s5 =	simm.s32 $0xFFFFFFFF;
	p2 =	slt.u32 s8, $0xFFFFF086  }
0x1c: {  	p1 =	slt.u32 s9, $0xF7A;
	s5 =	simm.s32 @!p2 $0x0  }
0x1d: {  	s5 =	simm.s32 @p1 $0x1;
	p0 =	seq.s32 s7, s2  }
0x1e: {  	s7 =	smul.u32 @!p0 $0xF7A, s2;
	p2 =	seq.s32 @!p0 s5, $0x0  }
0x1f: {  	s9 =	smul.u32 $0xF7A, s1;
	s8 =	simm.s32 @!p0 $0x1BF5;
	p2 =	por !p2, p0  }
0x20: {  	[sflag:s8] =	ssyncset.s32 @!p0 $0xFFFFF086;
	s6 =	sadd.s32 @!p0 s3, s7;
	s7 =	simm.s32 @!p0 $0x108  }
0x21: {  	s3 =	sadd.s32 s3, s9;
	s6 =	sadd.s32 @!p0 $0x88, s6;
	s7 =	simm.s32 @p2 $0x1082  }
0x22: {  	[simem:s7], [sflag:s8] =	dma.local @!p0 [hbm:s6], $0xF7A  }
0x23: {  	s9 =	sor.u32 $0xD0000000, s2;
	s6 =	simm.s32 $0x108;
	_ =	swait.ge @!p0 [sflag:s8], $0x0  }
0x24: {  	s3 =	sadd.s32 $0x88, s3;
	s6 =	simm.s32 @!p1 $0x1082;
	[sflag:s4] =	ssyncset.s32 $0xFFFFF086  }
0x25: {  	[simem:s6], [sflag:s4] =	dma.local [hbm:s3], $0xF7A  }
0x26: {  	[smem:$0x3F9F] =	sst s1;
	(tag) =	ssettag s2;
	_ =	strace s9  }
0x27: {  	s1 =	sld [smem:$0x3FAF]  }
0x28: {  	s2 =	sld [smem:$0x3FB0]  }
0x29: {  	s4 =	sld [smem:$0x3FB2]  }
0x2a: {  	p0 =	seq.s32 s5, $0x0;
	s5 =	sld [smem:$0x3FB3]  }
0x2b: {  	s6 =	sld [smem:$0x3FB4]  }
0x2c: {  	s7 =	sld [smem:$0x3FB5]  }
0x2d: {  	s3 =	simm.s32 $0x108;
	s8 =	sld [smem:$0x3FB6]  }
0x2e: {  	s3 =	simm.s32 @!p0 $0x1082;
	s9 =	sld [smem:$0x3FB7]  }
0x2f: {  	lr =	sadd.s32 s0, s3;
	s0 =	sld [smem:$0x3FAE]  }
0x30: {  	s3 =	sld [smem:$0x3FB1]  }
0x31: {  	[smem:$0x3FBA] =	sst s10  }
0x32: {  	s10 =	sld [smem:$0x3FB8];
	_ =	sdelay $0x3  }
0x33: {  	p0 =	seq.s32 s10, $0x1;
	s10 =	sld [smem:$0x3FBA];
	_ =	sdelay $0x3  }
0x34: {  	[smem:$0x3FBA] =	sst s10  }
0x35: {  	s10 =	sld [smem:$0x3FB9];
	_ =	sdelay $0x3  }
0x36: {  	p1 =	seq.s32 s10, $0x1;
	s10 =	sld [smem:$0x3FBA];
	_ =	sdelay $0x3  }
0x37: {  	[smem:$0x3FBA] =	sst s10  }
0x38: {  	s10 =	sld [smem:$0x3FBB]  }
0x39: {  	_ = 	snop;
	(pc) =	sbr.ind lr, $3  }
0x3a: {  	_ = 	snop  }
0x3b: {  	_ = 	snop  }
0x3c: {  	p2 =	seq.s32 s10, $0x1;
	s10 =	sld [smem:$0x3FBA]  }
0x3d: {  	_ =	shalt  }
0x3e: {  	_ =	shalt  }
0x3f: {  	_ =	shalt  }
0x40: {  	_ =	shalt  }
0x41: {  	_ =	shalt  }
0x42: {  	_ =	shalt  }
0x43: {  	_ =	shalt  }
0x44: {  	_ =	shalt  }
0x45: {  	_ =	shalt  }
0x46: {  	_ =	shalt  }
0x47: {  	_ =	shalt  }
0x48: {  	_ =	shalt  }
0x49: {  	_ =	shalt  }
0x4a: {  	_ =	shalt  }
0x4b: {  	_ =	shalt  }
0x4c: {  	_ =	shalt  }
0x4d: {  	_ =	shalt  }
0x4e: {  	_ =	shalt  }
0x4f: {  	_ =	shalt  }
0x50: {  	_ =	shalt  }
0x51: {  	_ =	shalt  }
0x52: {  	_ =	shalt  }
0x53: {  	_ =	shalt  }
0x54: {  	_ =	shalt  }
0x55: {  	_ =	shalt  }
0x56: {  	_ =	shalt  }
0x57: {  	_ =	shalt  }
0x58: {  	_ =	shalt  }
0x59: {  	_ =	shalt  }
0x5a: {  	_ =	shalt  }
0x5b: {  	_ =	shalt  }
0x5c: {  	_ =	shalt  }
0x5d: {  	_ =	shalt  }
0x5e: {  	_ =	shalt  }
0x5f: {  	_ =	shalt  }
0x60: {  	_ =	shalt  }
0x61: {  	_ =	shalt  }
0x62: {  	_ =	shalt  }
0x63: {  	_ =	shalt  }
0x64: {  	_ =	shalt  }
0x65: {  	_ =	shalt  }
0x66: {  	_ =	shalt  }
0x67: {  	_ =	shalt  }
0x68: {  	_ =	shalt  }
0x69: {  	_ =	shalt  }
0x6a: {  	_ =	shalt  }
0x6b: {  	_ =	shalt  }
0x6c: {  	_ =	shalt  }
0x6d: {  	_ =	shalt  }
0x6e: {  	_ =	shalt  }
0x6f: {  	_ =	shalt  }
0x70: {  	_ =	shalt  }
0x71: {  	_ =	shalt  }
0x72: {  	_ =	shalt  }
0x73: {  	_ =	shalt  }
0x74: {  	_ =	shalt  }
0x75: {  	_ =	shalt  }
0x76: {  	_ =	shalt  }
0x77: {  	_ =	shalt  }
0x78: {  	_ =	shalt  }
0x79: {  	_ =	shalt  }
0x7a: {  	_ =	shalt  }
0x7b: {  	_ =	shalt  }
0x7c: {  	_ =	shalt  }
0x7d: {  	_ =	shalt  }
0x7e: {  	_ =	shalt  }
0x7f: {  	_ =	shalt  }
0x80: {  	_ =	shalt  }
0x81: {  	_ =	shalt  }
0x82: {  	_ =	shalt  }
0x83: {  	_ =	shalt  }
0x84: {  	_ =	shalt  }
0x85: {  	_ =	shalt  }
0x86: {  	_ =	shalt  }
0x87: {  	_ =	shalt  }
.Lfunc_end0:
.L_simem_size_0:
called_computation_lowered:
.L_overlay_start_0:
0x88: {  	s2 =	sld [smem:$0x3FD9]  }
0x89: {  	s3 =	sld [smem:$0x3FFE];
	_ =	sdelay $0x1  }
0x8a: {  	s1 =	srdreg.scid  }
0x8b: {  	s0 =	sand.u32 $0x1, s1  }
0x8c: {  	s17 =	sshll.u32 s0, $0xA;
	s2 =	sadd.s32 s3, s2  }
0x8d: {  	s2 =	sadd.s32 s2, s17  }
0x8e: {  	[smem:$0x3FC6] =	sst s2  }
0x8f: {  	_ = 	snop  }
0x90: {  	s2 =	sld [smem:$0x3FC8]  }
0x91: {  	s18 =	sld [smem:$0x3FD0];
	(tm) =	ssettm $0x1  }
0x92: {  	s4 =	sld [smem:$0x3FFB];
	_ =	sdelay $0x3  }
0x93: {  	_ =	strace s4  }
0x94: {  	s4 =	sld [smem:$0x3FFC];
	_ =	sdelay $0x3  }
0x95: {  	_ =	strace s4  }
0x96: {  	s4 =	sld [smem:$0x3FFD];
	_ =	sdelay $0x3  }
0x97: {  	_ =	strace s4  }
0x98: {  	_ =	strace $0x8FFFFFFF  }
0x99: {  	s19 =	sld [smem:$0x3FDB];
	_ =	sdelay $0x1  }
0x9a: {  	s5 =	simm.s32 $_scs_section_size  }
0x9b: {  	s6 =	simm.s32 $_size__tile_overlayer_lowered;
	s7 =	simm.s32 $_tile_overlayer_lowered  }
0x9c: {  	s22 =	simm.s32 $0x1BFF;
	s21 =	sshll.u32 s7, $0x1;
	s4 =	sadd.s32 s5, s19  }
0x9d: {  	s8 =	simm.s32 $0x0;
	s20 =	sshll.u32 s6, $0x1;
	s6 =	sadd.s32 s21, s4  }
0x9e: {  	[timem:s8], [sflag:s22] =	dma.local [hbm:s6], s20  }
0x9f: {  	_ =	swait.ge [sflag:s22], s20  }
0xa0: {  	s5 =	ssub.s32 $0x0, s20;
	[sflag:s22] =	ssyncset.done $0x0  }
0xa1: {  	[sflag:s22] =	ssyncadd.s32 s5;
	_ =	sdelay $0x1  }
0xa2: {  	s23 =	simm.s32 $0x1B8B  }
0xa3: {  	_ =	swait.ge [sflag:s23], $0x1  }
0xa4: {  	[sflag:s23] =	ssyncset.done $0x0  }
0xa5: {  	s25 =	simm.s32 $0x1B8E;
	s24 =	sld [smem:$0x3FFE];
	[sflag:s23] =	ssyncadd.s32 $0xFFFFFFFF  }
0xa6: {  	s26 =	simm.s32 $execute0_lowered;
	[smem:$0x3FD2] =	sst s25  }
0xa7: {  	s6 =	sshll.u32 s26, $0x1;
	_ =	strace $0x80000046;
	[dreg:$0x1] =	wrdreg $0xFFFFFFFF  }
0xa8: {  	s28 =	simm.s32 $_size_execute0_lowered;
	s4 =	sadd.s32 s4, s6;
	[dreg:$0x0] =	wrdreg $0x0  }
0xa9: {  	s6 =	sshll.u32 s28, $0x1;
	[dreg:$0x2] =	wrdreg s4  }
0xaa: {  	[dreg:$0x3] =	wrdreg s6  }
0xab: {  	[dreg:$0x4] =	wrdreg $0xC0  }
0xac: {  	_ =	task [dreg:s8], $0x5FFFF  }
0xad: {  	[dreg:$0x1] =	wrdreg $0xFFFFFFFF  }
0xae: {  	[dreg:$0x0] =	wrdreg $0x60  }
0xaf: {  	[dreg:$0x2] =	wrdreg s2  }
0xb0: {  	[dreg:$0x3] =	wrdreg s24  }
0xb1: {  	[dreg:$0x4] =	wrdreg s18  }
0xb2: {  	[dreg:$0x5] =	wrdreg $0x164000  }
0xb3: {  	[dreg:$0x6] =	wrdreg $0x9  }
0xb4: {  	_ =	task.clear_ibuf [dreg:s8], $0x7FFFF;
	_ =	strace $0x90000046  }
0xb5: {  	s29 =	simm.s32 $0x9;
	_ =	strace $0x80000048  }
0xb6: {  	_ =	swait.ge [sflag:s29], $0x1  }
0xb7: {  	[sflag:s29] =	ssyncadd.s32 $0xFFFFFFFF  }
0xb8: {  	_ =	strace $0x90000048  }
0xb9: {  	_ =	sfence  }
0xba: {  	s30 =	sld [smem:$0x0];
	_ =	sdelay $0x2  }
0xbb: {  	s31 =	sshll.u32 s1, $0xD;
	s1 =	sshrl.u32 s1, $0x2  }
0xbc: {  	s3 =	sand.u32 $0x4000, s31;
	s1 =	sadd.s32 s1, s30  }
0xbd: {  	s0 =	sor.u32 s3, s0;
	s1 =	sshll.u32 s1, $0x11  }
0xbe: {  	s0 =	sor.u32 s1, s0  }
0xbf: {  	s0 =	sadd.s32 $0x8F2B, s0  }
0xc0: {  	[sflag:s0] =	ssyncadd.remote.s32 $0x1  }
0xc1: {  	_ =	sfence.sel $0xFFFF  }
0xc2: {  	[dreg:$0x0] =	wrdreg $0xFFFFFFFF;
	(pc) =	sbr.abs _section_cstart, $3  }
0xc3: {  	[dreg:$0x1] =	wrdreg $0xFFFFFFFF  }
0xc4: {  	_ =	task.clear_ibuf [dreg:s8], $0x2FFFF;
	_ =	strace $0x9FFFFFFF  }
0xc5: {  	(tm) =	ssettm $0x7FFFFFFF  }
tec
execute0_lowered:
.L_overlay_start_1:
0x0: {  	(tag) =	ssettag $0x1  }
0x1: {  	s1 =	rddreg [dreg:$0x0]  }
0x2: {  	s2 =	rddreg [dreg:$0x1];
	s3 =	srdreg.scid  }
0x3: {  	s0 =	stileid.u32;
	s4 =	rddreg [dreg:$0x2]  }
0x4: {  	s6 =	rddreg [dreg:$0x3];
	s8 =	simm.s32 $0x0;
	s12 =	simm.s32 $0xD  }
0x5: {  	s13 =	simm.s32 $0x80;
	s14 =	simm.s32 $0x6400;
	s15 =	simm.s32 $0xA400  }
0x6: {  	s16 =	simm.s32 $0xE400;
	s17 =	simm.s32 $0x12400;
	s28 =	simm.s32 $0x4  }
0x7: {  	s29 =	simm.s32 $0xA;
	s30 =	simm.s32 $0x8;
	s9 =	smul.u32 $0x640000, s0  }
0x8: {  	s31 =	simm.s32 $0x0;
	s3 =	sand.u32 $0x1, s3;
	s23 =	smul.u32 $0xC8000, s0  }
0x9: {  	s5 =	sshll.u32 s0, $0x1;
	[smem:$0x7FF] =	sst s8;
	s10 =	smul.u32 $0x320000, s3  }
0xa: {  	s5 =	sor.u32 s3, s5;
	s18 =	ssub.s32 $0x2, s3;
	s3 =	smul.u32 $0x64000, s3  }
0xb: {  	s20 =	sshll.u32 s0, $0xF;
	s26 =	sshll.u32 s0, $0x6;
	s7 =	smul.u32 $0xC80, s5  }
0xc: {  	_ =	strace $0x80000047;
	s19 =	sshrl.u32 s18, $0x1;
	s5 =	smul.u32 $0x320000, s5  }
0xd: {  	s8 =	ssub.s32 s18, s19;
	s9 =	sadd.s32 s10, s9;
	s18 =	simm.s32 $0x5  }
0xe: {  	s19 =	sor.u32 $0x1C09, s26;
	s2 =	sadd.s32 s7, s2;
	s21 =	sshrl.u32 s5, $0x3  }
0xf: {  	s5 =	sadd.s32 s20, s6;
	s24 =	smax.u32 s8, $0x1;
	s10 =	sshrl.u32 s9, $0x3  }
0x10: {  	s11 =	sor.u32 $0x8000, s9;
	s2 =	sadd.s32 $0x400, s2;
	s22 =	sadd.s32 s4, s21  }
0x11: {  	s6 =	sadd.s32 $0x4000, s5;
	[dreg:$0x7] =	wrdreg s24;
	s10 =	sadd.s32 s10, s4  }
.Ltmp0:
0x12: {  	s25 =	sshrl.u32 s11, $0x3;
	s20 =	sshrl.u32 s5, $0x3;
	(pc) =	sbr.rel .LBB2_1-.Ltmp0, $4  }
0x13: {  	s21 =	simm.s32 $0x2;
	s24 =	simm.s32 $0x3;
	[dreg:$0x5] =	wrdreg s2  }
0x14: {  	s2 =	sadd.s32 $0x63800, s22;
	s11 =	sadd.s32 s25, s4;
	s22 =	simm.s32 $0x6  }
0x15: {  	s25 =	simm.s32 $0x9;
	[dreg:$0x6] =	wrdreg s2;
	s2 =	sadd.s32 s23, s4  }
0x16: {  	s23 =	sor.u32 $0x1C0A, s26;
	s26 =	simm.s32 $0x7;
	s9 =	sadd.s32 s3, s2  }
.LBB2_7:
0x17: {  	_ =	swait.ge [sflag:s30], $0x4000  }
0x18: {  	[sflag:s30] =	ssyncset.done $0x0  }
0x19: {  	s2 =	rddreg [dreg:$0x6];
	[sflag:s30] =	ssyncadd.s32 $0xFFFFC000  }
0x1a: {  	[hbm:s2], [sflag:s23] =	dma.local [spmem:s4], $0x800  }
0x1b: {  	_ =	swait.ge [sflag:s29], $0x800  }
0x1c: {  	[sflag:s29] =	ssyncset.done $0x0  }
0x1d: {  	[sflag:s29] =	ssyncadd.s32 $0xFFFFF800  }
0x1e: {  	_ =	swait.ge [sflag:s25], $0x800  }
0x1f: {  	s31 =	sadd.s32 $0x1, s31;
	s8 =	rddreg [dreg:$0x7]  }
0x20: {  	p0 =	sne.s32 s31, s8  }
.Ltmp1:
0x21: {  	_ = 	snop;
	(pc) =	sbr.rel @!p0 .LBB2_8-.Ltmp1, $3  }
0x22: {  	_ =	sdelay $0x1  }
0x23: {  	[sflag:s25] =	ssyncset.done $0x0  }
0x24: {  	[sflag:s25] =	ssyncadd.s32 $0xFFFFF800  }
.LBB2_1:
0x25: {  	s2 =	simm.s32 $0x0;
	s3 =	rddreg [dreg:$0x5]  }
0x26: {  	[tilespmem:s2], [sflag:$0xD] =	stream.linear.gather [hbm4b:s3+s2], $0x6400, $0x38;
	[tilespmem:$0x1E400] =	vst v63  }
0x27: {  	_ =	swait.ge [sflag:s12], $0x6400  }
.Ltmp2:
0x28: {  	[sflag:s12] =	ssyncset.done $0x0;
	(pc) =	sbr.rel .LBB2_2-.Ltmp2, $4  }
0x29: {  	[sflag:s12] =	ssyncadd.s32 $0xFFFF9C00  }
0x2a: {  	[tilespmem:s14], [sflag:$0x1] =	stream.indirect.gather [hbm4b:s1+s13], $0x80, s2, s13, $0xb8;
	[tilespmem:$0x1E400] =	vst v63  }
0x2b: {  	s3 =	simm.s32 $0x0;
	s2 =	simm.s32 $0x280  }
0x2c: {  	[tilespmem:s15], [sflag:$0x2] =	stream.indirect.gather [hbm4b:s1+s13], $0x80, s13, s13, $0xb8;
	[tilespmem:$0x1E400] =	vst v63  }
.LBB2_3:
0x2d: {  	[spmem:s6] =	stream.linear.scatter [tilespmem:s15], [sflag:$0x6], $0x4000, $0x38;
	[tilespmem:$0x1E400] =	vst v63  }
.LBB2_5:
0x2e: {  	s4 =	sadd.s32 $0xFFFFFF80, s2;
	p0 =	por $0x0, $0x0  }
0x2f: {  	[tilespmem:s14], [sflag:$0x1] =	stream.indirect.gather [hbm4b:s1+s13], $0x80, s4, s13, $0xb8;
	[tilespmem:$0x1E400] =	vst v63  }
.LBB2_6:
0x30: {  	_ =	swait.ge [sflag:s22], $0x4000  }
0x31: {  	s4 =	sadd.s32 s3, s9;
	[sflag:s22] =	ssyncset.done $0x0  }
0x32: {  	s7 =	sadd.s32 $0x800, s4;
	s4 =	sshrl.u32 s6, $0x3;
	[sflag:s22] =	ssyncadd.s32 $0xFFFFC000  }
0x33: {  	[hbm:s7], [sflag:s23] =	dma.local [spmem:s4], $0x800  }
0x34: {  	_ =	swait.ge [sflag:s24], $0x4000  }
0x35: {  	[sflag:s24] =	ssyncset.done $0x0  }
0x36: {  	[sflag:s24] =	ssyncadd.s32 $0xFFFFC000  }
0x37: {  	_ =	swait.ge [sflag:s25], $0x800  }
0x38: {  	[sflag:s25] =	ssyncset.done $0x0  }
0x39: {  	[sflag:s25] =	ssyncadd.s32 $0xFFFFF800  }
0x3a: {  	[spmem:s5] =	stream.linear.scatter [tilespmem:s16], [sflag:$0x7], $0x4000, $0x38;
	[tilespmem:$0x1E400] =	vst v63  }
0x3b: {  	s8 =	simm.s32 @!p0 $0xA400;
	s7 =	simm.s32 @!p0 $0x80  }
0x3c: {  	[tilespmem:s8], [sflag:$0x2] =	stream.indirect.gather @!p0 [hbm4b:s1+s7], $0x80, s2, s7, $0xb8;
	[tilespmem:$0x1E400] =	vst v63  }
0x3d: {  	_ =	swait.ge [sflag:s26], $0x4000  }
0x3e: {  	[sflag:s26] =	ssyncset.done $0x0  }
0x3f: {  	s8 =	sadd.s32 s3, s11;
	[sflag:s26] =	ssyncadd.s32 $0xFFFFC000  }
0x40: {  	[hbm:s8], [sflag:s19] =	dma.local [spmem:s20], $0x800  }
0x41: {  	s3 =	sadd.s32 $0x2000, s3;
	_ =	swait.ge [sflag:s28], $0x4000  }
0x42: {  	p0 =	sne.s32 s3, $0x64000;
	[sflag:s28] =	ssyncset.done $0x0  }
.Ltmp3:
0x43: {  	[sflag:s28] =	ssyncadd.s32 $0xFFFFC000;
	(pc) =	sbr.rel @!p0 .LBB2_7-.Ltmp3, $4  }
0x44: {  	_ =	swait.ge [sflag:s29], $0x800  }
0x45: {  	[sflag:s29] =	ssyncset.done $0x0  }
0x46: {  	s2 =	sadd.s32 $0x200, s2;
	[sflag:s29] =	ssyncadd.s32 $0xFFFFF800  }
0x47: {  	[spmem:s6] =	stream.linear.scatter [tilespmem:s17], [sflag:$0x8], $0x4000, $0x38;
	[tilespmem:$0x1E400] =	vst v63  }
.LBB2_2:
0x48: {  	s4 =	sadd.s32 $0xFFFFFE80, s2;
	p0 =	sne.s32 s3, $0x0  }
0x49: {  	[tilespmem:s16], [sflag:$0x3] =	stream.indirect.gather [hbm4b:s1+s13], $0x80, s4, s13, $0xb8;
	[tilespmem:$0x1E400] =	vst v63  }
0x4a: {  	s4 =	simm.s32 @p0 $0x8  }
0x4b: {  	_ =	swait.ge @p0 [sflag:s4], $0x4000  }
0x4c: {  	[sflag:s4] =	ssyncset.done @p0 $0x0  }
0x4d: {  	s7 =	sshll.u32 @p0 s0, $0x6;
	[sflag:s4] =	ssyncadd.s32 @p0 $0xFFFFC000;
	s4 =	sadd.s32 @p0 s3, s9  }
0x4e: {  	s8 =	sshrl.u32 @p0 s6, $0x3;
	s7 =	sor.u32 @p0 $0x1C0A, s7;
	s4 =	sadd.s32 @p0 $0xFFFFF800, s4  }
0x4f: {  	[hbm:s4], [sflag:s7] =	dma.local @p0 [spmem:s8], $0x800  }
0x50: {  	s4 =	simm.s32 @p0 $0x1  }
0x51: {  	_ =	swait.ge @p0 [sflag:s4], $0x4000  }
0x52: {  	[sflag:s4] =	ssyncset.done @p0 $0x0  }
0x53: {  	[sflag:s4] =	ssyncadd.s32 @p0 $0xFFFFC000;
	s4 =	simm.s32 @p0 $0x9  }
0x54: {  	_ =	swait.ge @p0 [sflag:s4], $0x800  }
0x55: {  	[sflag:s4] =	ssyncset.done @p0 $0x0  }
0x56: {  	[sflag:s4] =	ssyncadd.s32 @p0 $0xFFFFF800;
	s4 =	simm.s32 @!p0 $0x1  }
0x57: {  	_ =	swait.ge @!p0 [sflag:s4], $0x4000  }
0x58: {  	[sflag:s4] =	ssyncset.done @!p0 $0x0  }
0x59: {  	[sflag:s4] =	ssyncadd.s32 @!p0 $0xFFFFC000  }
0x5a: {  	[spmem:s5] =	stream.linear.scatter [tilespmem:s14], [sflag:$0x5], $0x4000, $0x38;
	[tilespmem:$0x1E400] =	vst v63  }
0x5b: {  	s7 =	sadd.s32 $0xFFFFFF00, s2  }
0x5c: {  	[tilespmem:s17], [sflag:$0x4] =	stream.indirect.gather [hbm4b:s1+s13], $0x80, s7, s13, $0xb8;
	[tilespmem:$0x1E400] =	vst v63  }
0x5d: {  	_ =	swait.ge [sflag:s18], $0x4000  }
0x5e: {  	[sflag:s18] =	ssyncset.done $0x0  }
.Ltmp4:
0x5f: {  	s8 =	sadd.s32 s3, s10;
	[sflag:s18] =	ssyncadd.s32 $0xFFFFC000;
	(pc) =	sbr.rel @!p0 .LBB2_3-.Ltmp4, $4  }
0x60: {  	[hbm:s8], [sflag:s19] =	dma.local [spmem:s20], $0x800  }
0x61: {  	_ =	swait.ge [sflag:s21], $0x4000  }
0x62: {  	[sflag:s21] =	ssyncset.done $0x0  }
0x63: {  	[sflag:s21] =	ssyncadd.s32 $0xFFFFC000  }
0x64: {  	p1 =	seq.s32 s3, $0x62000  }
.Ltmp5:
0x65: {  	_ = 	snop;
	(pc) =	sbr.rel @p1 .LBB2_6-.Ltmp5, $4  }
.Ltmp6:
0x66: {  	_ =	swait.ge [sflag:s29], $0x800;
	(pc) =	sbr.rel @!p1 .LBB2_5-.Ltmp6, $4  }
0x67: {  	[sflag:s29] =	ssyncset.done $0x0  }
0x68: {  	p0 =	por $0x1, $0x1;
	[sflag:s29] =	ssyncadd.s32 $0xFFFFF800  }
0x69: {  	[spmem:s6] =	stream.linear.scatter [tilespmem:s15], [sflag:$0x6], $0x4000, $0x38;
	[tilespmem:$0x1E400] =	vst v63  }
0x6a: {  	_ = 	snop  }
.LBB2_8:
0x6b: {  	_ =	sfence.sel $0x180000  }
0x6c: {  	[bflag:$0x0] =	sbarrier.arrive $0xFFFF  }
0x6d: {  	_ =	strace $0x90000047  }
0x6e: {  	[bflag:$0x2] =	sbarrier.arrive $0xFFFF  }
0x6f: {  	p0 =	sne.s32 s0, $0x0;
	s0 =	rddreg [dreg:$0x4]  }
0x70: {  	s0 =	sadd.s32 @!p0 $0x100000, s0  }
0x71: {  	[sflag:s0] =	ssyncadd.tile.s32 @!p0 $0x1;
	_ =	shalt  }
.Lfunc_end2:
_tile_overlayer_lowered:
.L_overlay_start_2:
0x72: {  	(tag) =	ssettag $0x2  }
0x73: {  	s0 =	rddreg [dreg:$0x0];
	s2 =	stileid.u32  }
0x74: {  	s1 =	rddreg [dreg:$0x1];
	p0 =	sne.s32 s2, $0x0  }
0x75: {  	s3 =	rddreg [dreg:$0x2];
	[bflag:$0x3] =	sbarrier.arrive $0xFFFF;
	s2 =	simm.s32 @!p0 $0x1C0D  }
0x76: {  	[timem:s3], [sflag:s2] =	dma.local @!p0 [hbm:s0], s1  }
0x77: {  	s0 =	simm.s32 @!p0 $0xD  }
0x78: {  	_ =	swait.ge @!p0 [sflag:s0], s1  }
0x79: {  	s1 =	ssub.s32 @!p0 $0x0, s1;
	[sflag:s0] =	ssyncset.done @!p0 $0x0  }
0x7a: {  	[sflag:s0] =	ssyncadd.s32 @!p0 s1  }
0x7b: {  	[bflag:$0x3] =	sbarrier.arrive $0xFFFF  }
0x7c: {  	_ =	shalt  }

</sc_bundles>
